<compile_context>
chip_gen: v7x
topology: tpu7x:2x2x1
jax: 0.10.2.dev20260603
libtpu: 0.0.44.dev20260713+nightly
codegen_flags: <defaults>
</compile_context>

<pallas_src>
import functools

import jax
import jax.numpy as jnp
from jax import lax
from jax.experimental import pallas as pl
from jax.experimental.pallas import tpu as pltpu
from jax.experimental.pallas import tpu_sc as plsc

B, T, E, S, L, H = 8, 2048, 128, 512, 128, 150
NC, NS = 2, 16
NW = NC * NS
SPW = (B * S) // NW
IDW = SPW * L
HI = lax.Precision.DEFAULT



def _token_body(xt_ref, w1t, b1, w2, b2, w3t, b3, out_ref):
    xt = xt_ref[...].T
    b1c = b1[...].reshape(H, 1)
    b2c = b2[...].reshape(H, 1)
    ht = jnp.maximum(jnp.dot(w1t[...], xt, precision=HI) + b1c, 0.0)
    ht = jnp.maximum(
        lax.dot_general(w2[...], ht, (((0,), (0,)), ((), ())),
                        precision=HI) + b2c, 0.0)
    sct = jnp.dot(w3t[...], ht, precision=HI) + b3[...]
    rst = jnp.sum(xt, axis=0, keepdims=True)
    out_ref[...] = (sct * rst).reshape(_TOKEN_BLK)


_TOKEN_BLK = 4096
_token_call = pl.pallas_call(
    _token_body,
    grid=((B * T) // _TOKEN_BLK,),
    in_specs=[
        pl.BlockSpec((_TOKEN_BLK, E), lambda i: (i, 0)),
        pl.BlockSpec((H, E), lambda i: (0, 0)),
        pl.BlockSpec((H,), lambda i: (0,)),
        pl.BlockSpec((H, H), lambda i: (0, 0)),
        pl.BlockSpec((H,), lambda i: (0,)),
        pl.BlockSpec((1, H), lambda i: (0, 0)),
        pl.BlockSpec((1, 1), lambda i: (0, 0)),
    ],
    out_specs=pl.BlockSpec((_TOKEN_BLK,), lambda i: (i,)),
    out_shape=jax.ShapeDtypeStruct((B * T,), jnp.float32),
)



def _sc_body(embeds, ids, w, first_o, last_o, wgt_o,
             ids_v, w_v, fidx, lidx, rows_f, rows_l, out_w, sem):
    wid = lax.axis_index("s") * NC + lax.axis_index("c")
    b = wid // (NW // B)
    span0 = wid * SPW
    bT = b * T

    pltpu.sync_copy(ids.at[pl.ds(wid * IDW, IDW)], ids_v)

    iota = lax.iota(jnp.int32, 16)
    for j in range(SPW // 16):
        pos = (j * 16 + iota) * L
        fidx[pl.ds(j * 16, 16)] = plsc.load_gather(ids_v, [pos]) + bT
        lidx[pl.ds(j * 16, 16)] = plsc.load_gather(ids_v, [pos + (L - 1)]) + bT

    cf = pltpu.async_copy(embeds.at[fidx], rows_f, sem)
    cl = pltpu.async_copy(embeds.at[lidx], rows_l, sem)

    pltpu.sync_copy(w.at[pl.ds(bT, T)], w_v)

    def body(k, carry):
        for u in range(8):
            off = k * 128 + u * 16
            idx = ids_v[pl.ds(off, 16)]
            out_w[pl.ds(off, 16)] = plsc.load_gather(w_v, [idx])
        return carry

    lax.fori_loop(0, IDW // 128, body, 0)

    cf.wait()
    cl.wait()
    pltpu.sync_copy(rows_f, first_o.at[pl.ds(span0, SPW)])
    pltpu.sync_copy(rows_l, last_o.at[pl.ds(span0, SPW)])
    pltpu.sync_copy(out_w, wgt_o.at[pl.ds(wid * IDW, IDW)])


_sc_call = pl.kernel(
    _sc_body,
    out_type=[
        jax.ShapeDtypeStruct((B * S, E), jnp.float32),
        jax.ShapeDtypeStruct((B * S, E), jnp.float32),
        jax.ShapeDtypeStruct((B * S * L,), jnp.float32),
    ],
    mesh=plsc.VectorSubcoreMesh(
        core_axis_name="c", subcore_axis_name="s",
        num_cores=NC, num_subcores=NS),
    compiler_params=pltpu.CompilerParams(needs_layout_passes=False),
    scratch_types=[
        pltpu.VMEM((IDW,), jnp.int32),
        pltpu.VMEM((T,), jnp.float32),
        pltpu.VMEM((SPW,), jnp.int32),
        pltpu.VMEM((SPW,), jnp.int32),
        pltpu.VMEM((SPW, E), jnp.float32),
        pltpu.VMEM((SPW, E), jnp.float32),
        pltpu.VMEM((IDW,), jnp.float32),
        pltpu.SemaphoreType.DMA,
    ],
)



def _span_body(f_ref, l_ref, g_ref, w1, b1, w2, b2, w3, b3, se_ref, ms_ref):
    f = f_ref[...]
    lst = l_ref[...]
    g = g_ref[...]
    se_ref[:, 0:E] = f
    se_ref[:, E:2 * E] = lst
    se_ref[:, 2 * E:3 * E] = g
    h = (jnp.dot(f, w1[0:E, :], precision=HI)
         + jnp.dot(lst, w1[E:2 * E, :], precision=HI)
         + jnp.dot(g, w1[2 * E:3 * E, :], precision=HI) + b1[...])
    h = jnp.maximum(h, 0.0)
    h = jnp.maximum(jnp.dot(h, w2[...], precision=HI) + b2[...], 0.0)
    ms = jnp.dot(h, w3[...], precision=HI) + b3[...]
    ms_ref[...] = ms.reshape(_SPAN_BLK)


_SPAN_BLK = 1024
_span_call = pl.pallas_call(
    _span_body,
    grid=((B * S) // _SPAN_BLK,),
    in_specs=[
        pl.BlockSpec((_SPAN_BLK, E), lambda i: (i, 0)),
        pl.BlockSpec((_SPAN_BLK, E), lambda i: (i, 0)),
        pl.BlockSpec((_SPAN_BLK, L), lambda i: (i, 0)),
        pl.BlockSpec((3 * E, H), lambda i: (0, 0)),
        pl.BlockSpec((1, H), lambda i: (0, 0)),
        pl.BlockSpec((H, H), lambda i: (0, 0)),
        pl.BlockSpec((1, H), lambda i: (0, 0)),
        pl.BlockSpec((H, 1), lambda i: (0, 0)),
        pl.BlockSpec((1, 1), lambda i: (0, 0)),
    ],
    out_specs=[
        pl.BlockSpec((_SPAN_BLK, 3 * E), lambda i: (i, 0)),
        pl.BlockSpec((_SPAN_BLK,), lambda i: (i,)),
    ],
    out_shape=[
        jax.ShapeDtypeStruct((B * S, 3 * E), jnp.float32),
        jax.ShapeDtypeStruct((B * S,), jnp.float32),
    ],
)


def kernel(batch_embeds, batch_spans_ids, aW1, ab1, aW2, ab2, aW3, ab3,
           sW1, sb1, sW2, sb2, sW3, sb3):
    ef = batch_embeds.reshape(B * T, E)
    idsf = batch_spans_ids.reshape(B * S * L).astype(jnp.int32)
    w = _token_call(ef, aW1.T, ab1, aW2, ab2,
                    aW3.reshape(1, H), ab3.reshape(1, 1))
    first, last, wgt = _sc_call(ef, idsf, w)
    se, ms = _span_call(first, last, wgt.reshape(B * S, L),
                        sW1, sb1.reshape(1, H), sW2, sb2.reshape(1, H),
                        sW3, sb3.reshape(1, 1))
    return se.reshape(B, S, 3 * E), ms.reshape(B, S, 1)

# --- scband reference (transcript-rebuilt; emitter-appended) ---
"""Pipeline reference for scband-mention-score-60224031424678 (READ-ONLY COPY).

The authoritative reference and input builder live on the scoring server;
editing this copy changes nothing except your own understanding.
"""

import jax, jax.numpy as jnp
import numpy as np

B, T, E, S, L, H = 8, 2048, 128, 512, 128, 150
GI = 3 * E


def _mlp(x, W1, b1, W2, b2, W3, b3):
    h = jax.nn.relu(x @ W1 + b1)
    h = jax.nn.relu(h @ W2 + b2)
    return h @ W3 + b3


def setup_inputs(seed: int = 0) -> dict:
    key = jax.random.key(seed)
    ks = jax.random.split(key, 16)
    batch_embeds = jax.random.normal(ks[0], (B, T, E), dtype=jnp.float32)
    batch_spans_ids = jnp.sort(jax.random.randint(ks[1], (B, S, L), 0, T), axis=-1)
    def lin(k, fi, fo):
        return jax.random.normal(k, (fi, fo), dtype=jnp.float32) / np.sqrt(fi)
    inp = {
        'batch_embeds': batch_embeds,
        'batch_spans_ids': batch_spans_ids,
        'aW1': lin(ks[2], E, H), 'ab1': jnp.zeros((H,), jnp.float32),
        'aW2': lin(ks[3], H, H), 'ab2': jnp.zeros((H,), jnp.float32),
        'aW3': lin(ks[4], H, 1), 'ab3': jnp.zeros((1,), jnp.float32),
        'sW1': lin(ks[5], GI, H), 'sb1': jnp.zeros((H,), jnp.float32),
        'sW2': lin(ks[6], H, H), 'sb2': jnp.zeros((H,), jnp.float32),
        'sW3': lin(ks[7], H, 1), 'sb3': jnp.zeros((1,), jnp.float32),
    }
    return inp


def reference(batch_embeds, batch_spans_ids, aW1, ab1, aW2, ab2, aW3, ab3, sW1, sb1, sW2, sb2, sW3, sb3):
    # attention scores per token (dropout is identity in eval mode)
    attns = _mlp(batch_embeds, aW1, ab1, aW2, ab2, aW3, ab3)  # [B, T, 1]
    bidx = jnp.arange(batch_embeds.shape[0])[:, None, None]
    g = batch_embeds[bidx, batch_spans_ids]   # [B, S, L, E] gather
    ga = attns[bidx, batch_spans_ids]          # [B, S, L, 1]
    first = g[:, :, 0, :]                      # span[0] embed
    last = g[:, :, -1, :]                      # span[-1] embed
    # faithful to torch: sum(mul([L,E],[L,1]), dim=1) -> [L] (== E here)
    weighted = jnp.sum(g * ga, axis=3)         # [B, S, L]
    span_embeds = jnp.concatenate([first, last, weighted], axis=-1)  # [B, S, 3E]
    mention_scores = _mlp(span_embeds, sW1, sb1, sW2, sb2, sW3, sb3)  # [B, S, 1]
    return (span_embeds, mention_scores)

if __name__ == "__main__":
    import jax
    _d = setup_inputs()
    print(jax.jit(kernel)(*tuple(_d.values())))

</pallas_src>

<mosaic_0001>
#map = affine_map<(d0, d1) -> (0, 0)>
#map1 = affine_map<(d0, d1) -> (0)>
module attributes {stable_mosaic.version = 14 : i64} {
  func.func @_sc_body(%arg0: i32, %arg1: i32, %arg2: memref<16384x128xf32, #tpu.memory_space<hbm>>, %arg3: memref<524288xi32, #tpu.memory_space<hbm>>, %arg4: memref<16384xf32, #tpu.memory_space<hbm>>, %arg5: memref<4096x128xf32, #tpu.memory_space<hbm>>, %arg6: memref<4096x128xf32, #tpu.memory_space<hbm>>, %arg7: memref<524288xf32, #tpu.memory_space<hbm>>, %arg8: memref<16384xi32, #tpu.memory_space<vmem>>, %arg9: memref<2048xf32, #tpu.memory_space<vmem>>, %arg10: memref<128xi32, #tpu.memory_space<vmem>>, %arg11: memref<128xi32, #tpu.memory_space<vmem>>, %arg12: memref<128x128xf32, #tpu.memory_space<vmem>>, %arg13: memref<128x128xf32, #tpu.memory_space<vmem>>, %arg14: memref<16384xf32, #tpu.memory_space<vmem>>, %arg15: memref<!tpu.dma_semaphore, #tpu.memory_space<semaphore_mem>>) attributes {dimension_semantics = [#tpu.dimension_semantics<core_parallel>, #tpu.dimension_semantics<subcore_parallel>], iteration_bounds = array<i64: 2, 16>, scalar_prefetch = 0 : i64, scratch_operands = 8 : i64, tpu.core_type = #tpu.core_type<sc_vector_subcore>, window_params = [{transform_indices = #map}, {transform_indices = #map1}, {transform_indices = #map1}, {transform_indices = #map}, {transform_indices = #map}, {transform_indices = #map1}]} {
    %mul3A = arith.constant 2 : i32
    %mul3A_0 = arith.muli %arg1, %mul3A : i32
    %add3A = arith.addi %mul3A_0, %arg0 : i32
    %jit3A = arith.constant 4 : i32
    %div3A = arith.divsi %add3A, %jit3A : i32
    %sign3A = arith.constant 0 : i32
    %sign3A_1 = arith.cmpi sgt, %add3A, %sign3A : i32
    %sign3A_2 = arith.extui %sign3A_1 : i1 to i32
    %sign3A_3 = arith.constant 0 : i32
    %sign3A_4 = arith.cmpi slt, %add3A, %sign3A_3 : i32
    %sign3A_5 = arith.extui %sign3A_4 : i1 to i32
    %sign3A_6 = arith.subi %sign3A_2, %sign3A_5 : i32
    %sign3A_7 = arith.constant 0 : i32
    %sign3A_8 = arith.cmpi sgt, %jit3A, %sign3A_7 : i32
    %sign3A_9 = arith.extui %sign3A_8 : i1 to i32
    %sign3A_10 = arith.constant 0 : i32
    %sign3A_11 = arith.cmpi slt, %jit3A, %sign3A_10 : i32
    %sign3A_12 = arith.extui %sign3A_11 : i1 to i32
    %sign3A_13 = arith.subi %sign3A_9, %sign3A_12 : i32
    %ne3A = arith.cmpi ne, %sign3A_6, %sign3A_13 : i32
    %rem3A = arith.remsi %add3A, %jit3A : i32
    %ne3A_14 = arith.constant 0 : i32
    %ne3A_15 = arith.cmpi ne, %rem3A, %ne3A_14 : i32
    %and3A = arith.andi %ne3A, %ne3A_15 : i1
    %sub3A = arith.constant 1 : i32
    %sub3A_16 = arith.subi %div3A, %sub3A : i32
    %select_n3A = arith.select %and3A, %sub3A_16, %div3A : i32
    %mul3A_17 = arith.constant 128 : i32
    %mul3A_18 = arith.muli %add3A, %mul3A_17 : i32
    %mul3A_19 = arith.constant 2048 : i32
    %mul3A_20 = arith.muli %select_n3A, %mul3A_19 : i32
    %mul3A_21 = arith.constant 16384 : i32
    %mul3A_22 = arith.muli %add3A, %mul3A_21 : i32
    "tpu.region"() ({
      %run_scoped3A = tpu.sem_alloc : memref<!tpu.dma_semaphore, #tpu.memory_space<semaphore_mem>>
      %dma_start3A_190 = tpu.memref_slice %arg3[%mul3A_22] : memref<524288xi32, #tpu.memory_space<hbm>> -> memref<16384xi32, #tpu.memory_space<hbm>>
      %dma_start3A_191 = tpu.memref_slice %arg3[%mul3A_22] : memref<524288xi32, #tpu.memory_space<hbm>> -> memref<16384xi32, #tpu.memory_space<hbm>>
      tpu.enqueue_dma source(%dma_start3A_191 : memref<16384xi32, #tpu.memory_space<hbm>>) target(%arg8 : memref<16384xi32, #tpu.memory_space<vmem>>) target_semaphore(%run_scoped3A : memref<!tpu.dma_semaphore, #tpu.memory_space<semaphore_mem>>)
      %dma_wait3A_192 = tpu.memref_slice %arg3[%mul3A_22] : memref<524288xi32, #tpu.memory_space<hbm>> -> memref<16384xi32, #tpu.memory_space<hbm>>
      %dma_wait3A_193 = tpu.memref_slice %arg3[%mul3A_22] : memref<524288xi32, #tpu.memory_space<hbm>> -> memref<16384xi32, #tpu.memory_space<hbm>>
      tpu.wait_dma2 semaphore(%run_scoped3A : memref<!tpu.dma_semaphore, #tpu.memory_space<semaphore_mem>>) src(%dma_wait3A_193 : memref<16384xi32, #tpu.memory_space<hbm>>) dst(%arg8 : memref<16384xi32, #tpu.memory_space<vmem>>)
      tpu.yield
    }) : () -> ()
    %iota3A = tpu.iota {dimensions = array<i32: 0>} : vector<16xi32>
    %add3A_23 = arith.constant 0 : i32
    %add3A_24 = vector.broadcast %add3A_23 : i32 to vector<16xi32>
    %add3A_25 = arith.addi %add3A_24, %iota3A : vector<16xi32>
    %mul3A_26 = arith.constant 128 : i32
    %mul3A_27 = vector.broadcast %mul3A_26 : i32 to vector<16xi32>
    %mul3A_28 = arith.muli %add3A_25, %mul3A_27 : vector<16xi32>
    %gather3A = tpu.vector_load_idx %arg8[%mul3A_28] : memref<16384xi32, #tpu.memory_space<vmem>>[vector<16xi32>], vector<16xi32>,
    %add3A_29 = vector.broadcast %mul3A_20 : i32 to vector<16xi32>
    %add3A_30 = arith.addi %gather3A, %add3A_29 : vector<16xi32>
    %swap3A = arith.constant 0 : index
    %swap3A_31 = tpu.vector_load %arg10[%swap3A] {strides = array<i32>} : memref<128xi32, #tpu.memory_space<vmem>>, vector<16xi32>,
    tpu.vector_store %arg10[%swap3A], %add3A_30 {strides = array<i32>} : memref<128xi32, #tpu.memory_space<vmem>>, vector<16xi32>,
    %add3A_32 = arith.constant 127 : i32
    %add3A_33 = vector.broadcast %add3A_32 : i32 to vector<16xi32>
    %add3A_34 = arith.addi %mul3A_28, %add3A_33 : vector<16xi32>
    %gather3A_35 = tpu.vector_load_idx %arg8[%add3A_34] : memref<16384xi32, #tpu.memory_space<vmem>>[vector<16xi32>], vector<16xi32>,
    %add3A_36 = vector.broadcast %mul3A_20 : i32 to vector<16xi32>
    %add3A_37 = arith.addi %gather3A_35, %add3A_36 : vector<16xi32>
    %swap3A_38 = arith.constant 0 : index
    %swap3A_39 = tpu.vector_load %arg11[%swap3A_38] {strides = array<i32>} : memref<128xi32, #tpu.memory_space<vmem>>, vector<16xi32>,
    tpu.vector_store %arg11[%swap3A_38], %add3A_37 {strides = array<i32>} : memref<128xi32, #tpu.memory_space<vmem>>, vector<16xi32>,
    %add3A_40 = arith.constant 16 : i32
    %add3A_41 = vector.broadcast %add3A_40 : i32 to vector<16xi32>
    %add3A_42 = arith.addi %add3A_41, %iota3A : vector<16xi32>
    %mul3A_43 = arith.constant 128 : i32
    %mul3A_44 = vector.broadcast %mul3A_43 : i32 to vector<16xi32>
    %mul3A_45 = arith.muli %add3A_42, %mul3A_44 : vector<16xi32>
    %gather3A_46 = tpu.vector_load_idx %arg8[%mul3A_45] : memref<16384xi32, #tpu.memory_space<vmem>>[vector<16xi32>], vector<16xi32>,
    %add3A_47 = vector.broadcast %mul3A_20 : i32 to vector<16xi32>
    %add3A_48 = arith.addi %gather3A_46, %add3A_47 : vector<16xi32>
    %swap3A_49 = arith.constant 16 : index
    %swap3A_50 = tpu.vector_load %arg10[%swap3A_49] {strides = array<i32>} : memref<128xi32, #tpu.memory_space<vmem>>, vector<16xi32>,
    tpu.vector_store %arg10[%swap3A_49], %add3A_48 {strides = array<i32>} : memref<128xi32, #tpu.memory_space<vmem>>, vector<16xi32>,
    %add3A_51 = arith.constant 127 : i32
    %add3A_52 = vector.broadcast %add3A_51 : i32 to vector<16xi32>
    %add3A_53 = arith.addi %mul3A_45, %add3A_52 : vector<16xi32>
    %gather3A_54 = tpu.vector_load_idx %arg8[%add3A_53] : memref<16384xi32, #tpu.memory_space<vmem>>[vector<16xi32>], vector<16xi32>,
    %add3A_55 = vector.broadcast %mul3A_20 : i32 to vector<16xi32>
    %add3A_56 = arith.addi %gather3A_54, %add3A_55 : vector<16xi32>
    %swap3A_57 = arith.constant 16 : index
    %swap3A_58 = tpu.vector_load %arg11[%swap3A_57] {strides = array<i32>} : memref<128xi32, #tpu.memory_space<vmem>>, vector<16xi32>,
    tpu.vector_store %arg11[%swap3A_57], %add3A_56 {strides = array<i32>} : memref<128xi32, #tpu.memory_space<vmem>>, vector<16xi32>,
    %add3A_59 = arith.constant 32 : i32
    %add3A_60 = vector.broadcast %add3A_59 : i32 to vector<16xi32>
    %add3A_61 = arith.addi %add3A_60, %iota3A : vector<16xi32>
    %mul3A_62 = arith.constant 128 : i32
    %mul3A_63 = vector.broadcast %mul3A_62 : i32 to vector<16xi32>
    %mul3A_64 = arith.muli %add3A_61, %mul3A_63 : vector<16xi32>
    %gather3A_65 = tpu.vector_load_idx %arg8[%mul3A_64] : memref<16384xi32, #tpu.memory_space<vmem>>[vector<16xi32>], vector<16xi32>,
    %add3A_66 = vector.broadcast %mul3A_20 : i32 to vector<16xi32>
    %add3A_67 = arith.addi %gather3A_65, %add3A_66 : vector<16xi32>
    %swap3A_68 = arith.constant 32 : index
    %swap3A_69 = tpu.vector_load %arg10[%swap3A_68] {strides = array<i32>} : memref<128xi32, #tpu.memory_space<vmem>>, vector<16xi32>,
    tpu.vector_store %arg10[%swap3A_68], %add3A_67 {strides = array<i32>} : memref<128xi32, #tpu.memory_space<vmem>>, vector<16xi32>,
    %add3A_70 = arith.constant 127 : i32
    %add3A_71 = vector.broadcast %add3A_70 : i32 to vector<16xi32>
    %add3A_72 = arith.addi %mul3A_64, %add3A_71 : vector<16xi32>
    %gather3A_73 = tpu.vector_load_idx %arg8[%add3A_72] : memref<16384xi32, #tpu.memory_space<vmem>>[vector<16xi32>], vector<16xi32>,
    %add3A_74 = vector.broadcast %mul3A_20 : i32 to vector<16xi32>
    %add3A_75 = arith.addi %gather3A_73, %add3A_74 : vector<16xi32>
    %swap3A_76 = arith.constant 32 : index
    %swap3A_77 = tpu.vector_load %arg11[%swap3A_76] {strides = array<i32>} : memref<128xi32, #tpu.memory_space<vmem>>, vector<16xi32>,
    tpu.vector_store %arg11[%swap3A_76], %add3A_75 {strides = array<i32>} : memref<128xi32, #tpu.memory_space<vmem>>, vector<16xi32>,
    %add3A_78 = arith.constant 48 : i32
    %add3A_79 = vector.broadcast %add3A_78 : i32 to vector<16xi32>
    %add3A_80 = arith.addi %add3A_79, %iota3A : vector<16xi32>
    %mul3A_81 = arith.constant 128 : i32
    %mul3A_82 = vector.broadcast %mul3A_81 : i32 to vector<16xi32>
    %mul3A_83 = arith.muli %add3A_80, %mul3A_82 : vector<16xi32>
    %gather3A_84 = tpu.vector_load_idx %arg8[%mul3A_83] : memref<16384xi32, #tpu.memory_space<vmem>>[vector<16xi32>], vector<16xi32>,
    %add3A_85 = vector.broadcast %mul3A_20 : i32 to vector<16xi32>
    %add3A_86 = arith.addi %gather3A_84, %add3A_85 : vector<16xi32>
    %swap3A_87 = arith.constant 48 : index
    %swap3A_88 = tpu.vector_load %arg10[%swap3A_87] {strides = array<i32>} : memref<128xi32, #tpu.memory_space<vmem>>, vector<16xi32>,
    tpu.vector_store %arg10[%swap3A_87], %add3A_86 {strides = array<i32>} : memref<128xi32, #tpu.memory_space<vmem>>, vector<16xi32>,
    %add3A_89 = arith.constant 127 : i32
    %add3A_90 = vector.broadcast %add3A_89 : i32 to vector<16xi32>
    %add3A_91 = arith.addi %mul3A_83, %add3A_90 : vector<16xi32>
    %gather3A_92 = tpu.vector_load_idx %arg8[%add3A_91] : memref<16384xi32, #tpu.memory_space<vmem>>[vector<16xi32>], vector<16xi32>,
    %add3A_93 = vector.broadcast %mul3A_20 : i32 to vector<16xi32>
    %add3A_94 = arith.addi %gather3A_92, %add3A_93 : vector<16xi32>
    %swap3A_95 = arith.constant 48 : index
    %swap3A_96 = tpu.vector_load %arg11[%swap3A_95] {strides = array<i32>} : memref<128xi32, #tpu.memory_space<vmem>>, vector<16xi32>,
    tpu.vector_store %arg11[%swap3A_95], %add3A_94 {strides = array<i32>} : memref<128xi32, #tpu.memory_space<vmem>>, vector<16xi32>,
    %add3A_97 = arith.constant 64 : i32
    %add3A_98 = vector.broadcast %add3A_97 : i32 to vector<16xi32>
    %add3A_99 = arith.addi %add3A_98, %iota3A : vector<16xi32>
    %mul3A_100 = arith.constant 128 : i32
    %mul3A_101 = vector.broadcast %mul3A_100 : i32 to vector<16xi32>
    %mul3A_102 = arith.muli %add3A_99, %mul3A_101 : vector<16xi32>
    %gather3A_103 = tpu.vector_load_idx %arg8[%mul3A_102] : memref<16384xi32, #tpu.memory_space<vmem>>[vector<16xi32>], vector<16xi32>,
    %add3A_104 = vector.broadcast %mul3A_20 : i32 to vector<16xi32>
    %add3A_105 = arith.addi %gather3A_103, %add3A_104 : vector<16xi32>
    %swap3A_106 = arith.constant 64 : index
    %swap3A_107 = tpu.vector_load %arg10[%swap3A_106] {strides = array<i32>} : memref<128xi32, #tpu.memory_space<vmem>>, vector<16xi32>,
    tpu.vector_store %arg10[%swap3A_106], %add3A_105 {strides = array<i32>} : memref<128xi32, #tpu.memory_space<vmem>>, vector<16xi32>,
    %add3A_108 = arith.constant 127 : i32
    %add3A_109 = vector.broadcast %add3A_108 : i32 to vector<16xi32>
    %add3A_110 = arith.addi %mul3A_102, %add3A_109 : vector<16xi32>
    %gather3A_111 = tpu.vector_load_idx %arg8[%add3A_110] : memref<16384xi32, #tpu.memory_space<vmem>>[vector<16xi32>], vector<16xi32>,
    %add3A_112 = vector.broadcast %mul3A_20 : i32 to vector<16xi32>
    %add3A_113 = arith.addi %gather3A_111, %add3A_112 : vector<16xi32>
    %swap3A_114 = arith.constant 64 : index
    %swap3A_115 = tpu.vector_load %arg11[%swap3A_114] {strides = array<i32>} : memref<128xi32, #tpu.memory_space<vmem>>, vector<16xi32>,
    tpu.vector_store %arg11[%swap3A_114], %add3A_113 {strides = array<i32>} : memref<128xi32, #tpu.memory_space<vmem>>, vector<16xi32>,
    %add3A_116 = arith.constant 80 : i32
    %add3A_117 = vector.broadcast %add3A_116 : i32 to vector<16xi32>
    %add3A_118 = arith.addi %add3A_117, %iota3A : vector<16xi32>
    %mul3A_119 = arith.constant 128 : i32
    %mul3A_120 = vector.broadcast %mul3A_119 : i32 to vector<16xi32>
    %mul3A_121 = arith.muli %add3A_118, %mul3A_120 : vector<16xi32>
    %gather3A_122 = tpu.vector_load_idx %arg8[%mul3A_121] : memref<16384xi32, #tpu.memory_space<vmem>>[vector<16xi32>], vector<16xi32>,
    %add3A_123 = vector.broadcast %mul3A_20 : i32 to vector<16xi32>
    %add3A_124 = arith.addi %gather3A_122, %add3A_123 : vector<16xi32>
    %swap3A_125 = arith.constant 80 : index
    %swap3A_126 = tpu.vector_load %arg10[%swap3A_125] {strides = array<i32>} : memref<128xi32, #tpu.memory_space<vmem>>, vector<16xi32>,
    tpu.vector_store %arg10[%swap3A_125], %add3A_124 {strides = array<i32>} : memref<128xi32, #tpu.memory_space<vmem>>, vector<16xi32>,
    %add3A_127 = arith.constant 127 : i32
    %add3A_128 = vector.broadcast %add3A_127 : i32 to vector<16xi32>
    %add3A_129 = arith.addi %mul3A_121, %add3A_128 : vector<16xi32>
    %gather3A_130 = tpu.vector_load_idx %arg8[%add3A_129] : memref<16384xi32, #tpu.memory_space<vmem>>[vector<16xi32>], vector<16xi32>,
    %add3A_131 = vector.broadcast %mul3A_20 : i32 to vector<16xi32>
    %add3A_132 = arith.addi %gather3A_130, %add3A_131 : vector<16xi32>
    %swap3A_133 = arith.constant 80 : index
    %swap3A_134 = tpu.vector_load %arg11[%swap3A_133] {strides = array<i32>} : memref<128xi32, #tpu.memory_space<vmem>>, vector<16xi32>,
    tpu.vector_store %arg11[%swap3A_133], %add3A_132 {strides = array<i32>} : memref<128xi32, #tpu.memory_space<vmem>>, vector<16xi32>,
    %add3A_135 = arith.constant 96 : i32
    %add3A_136 = vector.broadcast %add3A_135 : i32 to vector<16xi32>
    %add3A_137 = arith.addi %add3A_136, %iota3A : vector<16xi32>
    %mul3A_138 = arith.constant 128 : i32
    %mul3A_139 = vector.broadcast %mul3A_138 : i32 to vector<16xi32>
    %mul3A_140 = arith.muli %add3A_137, %mul3A_139 : vector<16xi32>
    %gather3A_141 = tpu.vector_load_idx %arg8[%mul3A_140] : memref<16384xi32, #tpu.memory_space<vmem>>[vector<16xi32>], vector<16xi32>,
    %add3A_142 = vector.broadcast %mul3A_20 : i32 to vector<16xi32>
    %add3A_143 = arith.addi %gather3A_141, %add3A_142 : vector<16xi32>
    %swap3A_144 = arith.constant 96 : index
    %swap3A_145 = tpu.vector_load %arg10[%swap3A_144] {strides = array<i32>} : memref<128xi32, #tpu.memory_space<vmem>>, vector<16xi32>,
    tpu.vector_store %arg10[%swap3A_144], %add3A_143 {strides = array<i32>} : memref<128xi32, #tpu.memory_space<vmem>>, vector<16xi32>,
    %add3A_146 = arith.constant 127 : i32
    %add3A_147 = vector.broadcast %add3A_146 : i32 to vector<16xi32>
    %add3A_148 = arith.addi %mul3A_140, %add3A_147 : vector<16xi32>
    %gather3A_149 = tpu.vector_load_idx %arg8[%add3A_148] : memref<16384xi32, #tpu.memory_space<vmem>>[vector<16xi32>], vector<16xi32>,
    %add3A_150 = vector.broadcast %mul3A_20 : i32 to vector<16xi32>
    %add3A_151 = arith.addi %gather3A_149, %add3A_150 : vector<16xi32>
    %swap3A_152 = arith.constant 96 : index
    %swap3A_153 = tpu.vector_load %arg11[%swap3A_152] {strides = array<i32>} : memref<128xi32, #tpu.memory_space<vmem>>, vector<16xi32>,
    tpu.vector_store %arg11[%swap3A_152], %add3A_151 {strides = array<i32>} : memref<128xi32, #tpu.memory_space<vmem>>, vector<16xi32>,
    %add3A_154 = arith.constant 112 : i32
    %add3A_155 = vector.broadcast %add3A_154 : i32 to vector<16xi32>
    %add3A_156 = arith.addi %add3A_155, %iota3A : vector<16xi32>
    %mul3A_157 = arith.constant 128 : i32
    %mul3A_158 = vector.broadcast %mul3A_157 : i32 to vector<16xi32>
    %mul3A_159 = arith.muli %add3A_156, %mul3A_158 : vector<16xi32>
    %gather3A_160 = tpu.vector_load_idx %arg8[%mul3A_159] : memref<16384xi32, #tpu.memory_space<vmem>>[vector<16xi32>], vector<16xi32>,
    %add3A_161 = vector.broadcast %mul3A_20 : i32 to vector<16xi32>
    %add3A_162 = arith.addi %gather3A_160, %add3A_161 : vector<16xi32>
    %swap3A_163 = arith.constant 112 : index
    %swap3A_164 = tpu.vector_load %arg10[%swap3A_163] {strides = array<i32>} : memref<128xi32, #tpu.memory_space<vmem>>, vector<16xi32>,
    tpu.vector_store %arg10[%swap3A_163], %add3A_162 {strides = array<i32>} : memref<128xi32, #tpu.memory_space<vmem>>, vector<16xi32>,
    %add3A_165 = arith.constant 127 : i32
    %add3A_166 = vector.broadcast %add3A_165 : i32 to vector<16xi32>
    %add3A_167 = arith.addi %mul3A_159, %add3A_166 : vector<16xi32>
    %gather3A_168 = tpu.vector_load_idx %arg8[%add3A_167] : memref<16384xi32, #tpu.memory_space<vmem>>[vector<16xi32>], vector<16xi32>,
    %add3A_169 = vector.broadcast %mul3A_20 : i32 to vector<16xi32>
    %add3A_170 = arith.addi %gather3A_168, %add3A_169 : vector<16xi32>
    %swap3A_171 = arith.constant 112 : index
    %swap3A_172 = tpu.vector_load %arg11[%swap3A_171] {strides = array<i32>} : memref<128xi32, #tpu.memory_space<vmem>>, vector<16xi32>,
    tpu.vector_store %arg11[%swap3A_171], %add3A_170 {strides = array<i32>} : memref<128xi32, #tpu.memory_space<vmem>>, vector<16xi32>,
    %dma_start3A = arith.constant 0 : i32
    %dma_start3A_173 = arith.constant 0 : i32
    %dma_start3A_174 = tpu.memref_slice %arg2[%dma_start3A, %dma_start3A_173] : memref<16384x128xf32, #tpu.memory_space<hbm>> -> memref<16384x128xf32, #tpu.memory_space<hbm>>
    tpu.enqueue_indirect_dma source(%dma_start3A_174 : memref<16384x128xf32, #tpu.memory_space<hbm>>) target(%arg12 : memref<128x128xf32, #tpu.memory_space<vmem>>) offsets(%arg10 : memref<128xi32, #tpu.memory_space<vmem>>) semaphore(%arg15 : memref<!tpu.dma_semaphore, #tpu.memory_space<semaphore_mem>>)
    %dma_start3A_175 = arith.constant 0 : i32
    %dma_start3A_176 = arith.constant 0 : i32
    %dma_start3A_177 = tpu.memref_slice %arg2[%dma_start3A_175, %dma_start3A_176] : memref<16384x128xf32, #tpu.memory_space<hbm>> -> memref<16384x128xf32, #tpu.memory_space<hbm>>
    tpu.enqueue_indirect_dma source(%dma_start3A_177 : memref<16384x128xf32, #tpu.memory_space<hbm>>) target(%arg13 : memref<128x128xf32, #tpu.memory_space<vmem>>) offsets(%arg11 : memref<128xi32, #tpu.memory_space<vmem>>) semaphore(%arg15 : memref<!tpu.dma_semaphore, #tpu.memory_space<semaphore_mem>>)
    "tpu.region"() ({
      %run_scoped3A = tpu.sem_alloc : memref<!tpu.dma_semaphore, #tpu.memory_space<semaphore_mem>>
      %dma_start3A_190 = tpu.memref_slice %arg4[%mul3A_20] : memref<16384xf32, #tpu.memory_space<hbm>> -> memref<2048xf32, #tpu.memory_space<hbm>>
      %dma_start3A_191 = tpu.memref_slice %arg4[%mul3A_20] : memref<16384xf32, #tpu.memory_space<hbm>> -> memref<2048xf32, #tpu.memory_space<hbm>>
      tpu.enqueue_dma source(%dma_start3A_191 : memref<2048xf32, #tpu.memory_space<hbm>>) target(%arg9 : memref<2048xf32, #tpu.memory_space<vmem>>) target_semaphore(%run_scoped3A : memref<!tpu.dma_semaphore, #tpu.memory_space<semaphore_mem>>)
      %dma_wait3A_192 = tpu.memref_slice %arg4[%mul3A_20] : memref<16384xf32, #tpu.memory_space<hbm>> -> memref<2048xf32, #tpu.memory_space<hbm>>
      %dma_wait3A_193 = tpu.memref_slice %arg4[%mul3A_20] : memref<16384xf32, #tpu.memory_space<hbm>> -> memref<2048xf32, #tpu.memory_space<hbm>>
      tpu.wait_dma2 semaphore(%run_scoped3A : memref<!tpu.dma_semaphore, #tpu.memory_space<semaphore_mem>>) src(%dma_wait3A_193 : memref<2048xf32, #tpu.memory_space<hbm>>) dst(%arg9 : memref<2048xf32, #tpu.memory_space<vmem>>)
      tpu.yield
    }) : () -> ()
    %scan3A = arith.constant 0 : i32
    %scan3A_178 = arith.constant 0 : i32
    %scan3A_179 = arith.constant 128 : i32
    %scan3A_180 = arith.addi %scan3A_178, %scan3A_179 : i32
    %scan3A_181 = arith.constant 1 : i32
    scf.for %scan3A_190 = %scan3A_178 to %scan3A_180 step %scan3A_181  : i32 {
      %mul3A_191 = arith.constant 128 : i32
      %mul3A_192 = arith.muli %scan3A_190, %mul3A_191 : i32
      %add3A_193 = arith.constant 0 : i32
      %add3A_194 = arith.addi %mul3A_192, %add3A_193 : i32
      %get3A = arith.index_cast %add3A_194 : i32 to index
      %get3A_195 = tpu.vector_load %arg8[%get3A] {strides = array<i32>} : memref<16384xi32, #tpu.memory_space<vmem>>, vector<16xi32>,
      %gather3A_196 = tpu.vector_load_idx %arg9[%get3A_195] : memref<2048xf32, #tpu.memory_space<vmem>>[vector<16xi32>], vector<16xf32>,
      %swap3A_197 = arith.index_cast %add3A_194 : i32 to index
      %swap3A_198 = tpu.vector_load %arg14[%swap3A_197] {strides = array<i32>} : memref<16384xf32, #tpu.memory_space<vmem>>, vector<16xf32>,
      tpu.vector_store %arg14[%swap3A_197], %gather3A_196 {strides = array<i32>} : memref<16384xf32, #tpu.memory_space<vmem>>, vector<16xf32>,
      %mul3A_199 = arith.constant 128 : i32
      %mul3A_200 = arith.muli %scan3A_190, %mul3A_199 : i32
      %add3A_201 = arith.constant 16 : i32
      %add3A_202 = arith.addi %mul3A_200, %add3A_201 : i32
      %get3A_203 = arith.index_cast %add3A_202 : i32 to index
      %get3A_204 = tpu.vector_load %arg8[%get3A_203] {strides = array<i32>} : memref<16384xi32, #tpu.memory_space<vmem>>, vector<16xi32>,
      %gather3A_205 = tpu.vector_load_idx %arg9[%get3A_204] : memref<2048xf32, #tpu.memory_space<vmem>>[vector<16xi32>], vector<16xf32>,
      %swap3A_206 = arith.index_cast %add3A_202 : i32 to index
      %swap3A_207 = tpu.vector_load %arg14[%swap3A_206] {strides = array<i32>} : memref<16384xf32, #tpu.memory_space<vmem>>, vector<16xf32>,
      tpu.vector_store %arg14[%swap3A_206], %gather3A_205 {strides = array<i32>} : memref<16384xf32, #tpu.memory_space<vmem>>, vector<16xf32>,
      %mul3A_208 = arith.constant 128 : i32
      %mul3A_209 = arith.muli %scan3A_190, %mul3A_208 : i32
      %add3A_210 = arith.constant 32 : i32
      %add3A_211 = arith.addi %mul3A_209, %add3A_210 : i32
      %get3A_212 = arith.index_cast %add3A_211 : i32 to index
      %get3A_213 = tpu.vector_load %arg8[%get3A_212] {strides = array<i32>} : memref<16384xi32, #tpu.memory_space<vmem>>, vector<16xi32>,
      %gather3A_214 = tpu.vector_load_idx %arg9[%get3A_213] : memref<2048xf32, #tpu.memory_space<vmem>>[vector<16xi32>], vector<16xf32>,
      %swap3A_215 = arith.index_cast %add3A_211 : i32 to index
      %swap3A_216 = tpu.vector_load %arg14[%swap3A_215] {strides = array<i32>} : memref<16384xf32, #tpu.memory_space<vmem>>, vector<16xf32>,
      tpu.vector_store %arg14[%swap3A_215], %gather3A_214 {strides = array<i32>} : memref<16384xf32, #tpu.memory_space<vmem>>, vector<16xf32>,
      %mul3A_217 = arith.constant 128 : i32
      %mul3A_218 = arith.muli %scan3A_190, %mul3A_217 : i32
      %add3A_219 = arith.constant 48 : i32
      %add3A_220 = arith.addi %mul3A_218, %add3A_219 : i32
      %get3A_221 = arith.index_cast %add3A_220 : i32 to index
      %get3A_222 = tpu.vector_load %arg8[%get3A_221] {strides = array<i32>} : memref<16384xi32, #tpu.memory_space<vmem>>, vector<16xi32>,
      %gather3A_223 = tpu.vector_load_idx %arg9[%get3A_222] : memref<2048xf32, #tpu.memory_space<vmem>>[vector<16xi32>], vector<16xf32>,
      %swap3A_224 = arith.index_cast %add3A_220 : i32 to index
      %swap3A_225 = tpu.vector_load %arg14[%swap3A_224] {strides = array<i32>} : memref<16384xf32, #tpu.memory_space<vmem>>, vector<16xf32>,
      tpu.vector_store %arg14[%swap3A_224], %gather3A_223 {strides = array<i32>} : memref<16384xf32, #tpu.memory_space<vmem>>, vector<16xf32>,
      %mul3A_226 = arith.constant 128 : i32
      %mul3A_227 = arith.muli %scan3A_190, %mul3A_226 : i32
      %add3A_228 = arith.constant 64 : i32
      %add3A_229 = arith.addi %mul3A_227, %add3A_228 : i32
      %get3A_230 = arith.index_cast %add3A_229 : i32 to index
      %get3A_231 = tpu.vector_load %arg8[%get3A_230] {strides = array<i32>} : memref<16384xi32, #tpu.memory_space<vmem>>, vector<16xi32>,
      %gather3A_232 = tpu.vector_load_idx %arg9[%get3A_231] : memref<2048xf32, #tpu.memory_space<vmem>>[vector<16xi32>], vector<16xf32>,
      %swap3A_233 = arith.index_cast %add3A_229 : i32 to index
      %swap3A_234 = tpu.vector_load %arg14[%swap3A_233] {strides = array<i32>} : memref<16384xf32, #tpu.memory_space<vmem>>, vector<16xf32>,
      tpu.vector_store %arg14[%swap3A_233], %gather3A_232 {strides = array<i32>} : memref<16384xf32, #tpu.memory_space<vmem>>, vector<16xf32>,
      %mul3A_235 = arith.constant 128 : i32
      %mul3A_236 = arith.muli %scan3A_190, %mul3A_235 : i32
      %add3A_237 = arith.constant 80 : i32
      %add3A_238 = arith.addi %mul3A_236, %add3A_237 : i32
      %get3A_239 = arith.index_cast %add3A_238 : i32 to index
      %get3A_240 = tpu.vector_load %arg8[%get3A_239] {strides = array<i32>} : memref<16384xi32, #tpu.memory_space<vmem>>, vector<16xi32>,
      %gather3A_241 = tpu.vector_load_idx %arg9[%get3A_240] : memref<2048xf32, #tpu.memory_space<vmem>>[vector<16xi32>], vector<16xf32>,
      %swap3A_242 = arith.index_cast %add3A_238 : i32 to index
      %swap3A_243 = tpu.vector_load %arg14[%swap3A_242] {strides = array<i32>} : memref<16384xf32, #tpu.memory_space<vmem>>, vector<16xf32>,
      tpu.vector_store %arg14[%swap3A_242], %gather3A_241 {strides = array<i32>} : memref<16384xf32, #tpu.memory_space<vmem>>, vector<16xf32>,
      %mul3A_244 = arith.constant 128 : i32
      %mul3A_245 = arith.muli %scan3A_190, %mul3A_244 : i32
      %add3A_246 = arith.constant 96 : i32
      %add3A_247 = arith.addi %mul3A_245, %add3A_246 : i32
      %get3A_248 = arith.index_cast %add3A_247 : i32 to index
      %get3A_249 = tpu.vector_load %arg8[%get3A_248] {strides = array<i32>} : memref<16384xi32, #tpu.memory_space<vmem>>, vector<16xi32>,
      %gather3A_250 = tpu.vector_load_idx %arg9[%get3A_249] : memref<2048xf32, #tpu.memory_space<vmem>>[vector<16xi32>], vector<16xf32>,
      %swap3A_251 = arith.index_cast %add3A_247 : i32 to index
      %swap3A_252 = tpu.vector_load %arg14[%swap3A_251] {strides = array<i32>} : memref<16384xf32, #tpu.memory_space<vmem>>, vector<16xf32>,
      tpu.vector_store %arg14[%swap3A_251], %gather3A_250 {strides = array<i32>} : memref<16384xf32, #tpu.memory_space<vmem>>, vector<16xf32>,
      %mul3A_253 = arith.constant 128 : i32
      %mul3A_254 = arith.muli %scan3A_190, %mul3A_253 : i32
      %add3A_255 = arith.constant 112 : i32
      %add3A_256 = arith.addi %mul3A_254, %add3A_255 : i32
      %get3A_257 = arith.index_cast %add3A_256 : i32 to index
      %get3A_258 = tpu.vector_load %arg8[%get3A_257] {strides = array<i32>} : memref<16384xi32, #tpu.memory_space<vmem>>, vector<16xi32>,
      %gather3A_259 = tpu.vector_load_idx %arg9[%get3A_258] : memref<2048xf32, #tpu.memory_space<vmem>>[vector<16xi32>], vector<16xf32>,
      %swap3A_260 = arith.index_cast %add3A_256 : i32 to index
      %swap3A_261 = tpu.vector_load %arg14[%swap3A_260] {strides = array<i32>} : memref<16384xf32, #tpu.memory_space<vmem>>, vector<16xf32>,
      tpu.vector_store %arg14[%swap3A_260], %gather3A_259 {strides = array<i32>} : memref<16384xf32, #tpu.memory_space<vmem>>, vector<16xf32>,
    }
    %scan3A_182 = arith.constant 128 : i32
    %dma_wait3A = arith.constant 0 : i32
    %dma_wait3A_183 = arith.constant 0 : i32
    %dma_wait3A_184 = tpu.memref_slice %arg2[%dma_wait3A, %dma_wait3A_183] : memref<16384x128xf32, #tpu.memory_space<hbm>> -> memref<16384x128xf32, #tpu.memory_space<hbm>>
    tpu.wait_indirect_dma semaphore(%arg15 : memref<!tpu.dma_semaphore, #tpu.memory_space<semaphore_mem>>) src(%dma_wait3A_184 : memref<16384x128xf32, #tpu.memory_space<hbm>>) dst(%arg12 : memref<128x128xf32, #tpu.memory_space<vmem>>)
    %dma_wait3A_185 = arith.constant 0 : i32
    %dma_wait3A_186 = arith.constant 0 : i32
    %dma_wait3A_187 = tpu.memref_slice %arg2[%dma_wait3A_185, %dma_wait3A_186] : memref<16384x128xf32, #tpu.memory_space<hbm>> -> memref<16384x128xf32, #tpu.memory_space<hbm>>
    tpu.wait_indirect_dma semaphore(%arg15 : memref<!tpu.dma_semaphore, #tpu.memory_space<semaphore_mem>>) src(%dma_wait3A_187 : memref<16384x128xf32, #tpu.memory_space<hbm>>) dst(%arg13 : memref<128x128xf32, #tpu.memory_space<vmem>>)
    "tpu.region"() ({
      %run_scoped3A = tpu.sem_alloc : memref<!tpu.dma_semaphore, #tpu.memory_space<semaphore_mem>>
      %dma_start3A_190 = arith.constant 0 : i32
      %dma_start3A_191 = tpu.memref_slice %arg5[%mul3A_18, %dma_start3A_190] : memref<4096x128xf32, #tpu.memory_space<hbm>> -> memref<128x128xf32, #tpu.memory_space<hbm>>
      %dma_start3A_192 = arith.constant 0 : i32
      %dma_start3A_193 = tpu.memref_slice %arg5[%mul3A_18, %dma_start3A_192] : memref<4096x128xf32, #tpu.memory_space<hbm>> -> memref<128x128xf32, #tpu.memory_space<hbm>>
      tpu.enqueue_dma source(%arg12 : memref<128x128xf32, #tpu.memory_space<vmem>>) target(%dma_start3A_193 : memref<128x128xf32, #tpu.memory_space<hbm>>) target_semaphore(%run_scoped3A : memref<!tpu.dma_semaphore, #tpu.memory_space<semaphore_mem>>)
      %dma_wait3A_194 = arith.constant 0 : i32
      %dma_wait3A_195 = tpu.memref_slice %arg5[%mul3A_18, %dma_wait3A_194] : memref<4096x128xf32, #tpu.memory_space<hbm>> -> memref<128x128xf32, #tpu.memory_space<hbm>>
      %dma_wait3A_196 = arith.constant 0 : i32
      %dma_wait3A_197 = tpu.memref_slice %arg5[%mul3A_18, %dma_wait3A_196] : memref<4096x128xf32, #tpu.memory_space<hbm>> -> memref<128x128xf32, #tpu.memory_space<hbm>>
      tpu.wait_dma2 semaphore(%run_scoped3A : memref<!tpu.dma_semaphore, #tpu.memory_space<semaphore_mem>>) src(%arg12 : memref<128x128xf32, #tpu.memory_space<vmem>>) dst(%dma_wait3A_197 : memref<128x128xf32, #tpu.memory_space<hbm>>)
      tpu.yield
    }) : () -> ()
    "tpu.region"() ({
      %run_scoped3A = tpu.sem_alloc : memref<!tpu.dma_semaphore, #tpu.memory_space<semaphore_mem>>
      %dma_start3A_190 = arith.constant 0 : i32
      %dma_start3A_191 = tpu.memref_slice %arg6[%mul3A_18, %dma_start3A_190] : memref<4096x128xf32, #tpu.memory_space<hbm>> -> memref<128x128xf32, #tpu.memory_space<hbm>>
      %dma_start3A_192 = arith.constant 0 : i32
      %dma_start3A_193 = tpu.memref_slice %arg6[%mul3A_18, %dma_start3A_192] : memref<4096x128xf32, #tpu.memory_space<hbm>> -> memref<128x128xf32, #tpu.memory_space<hbm>>
      tpu.enqueue_dma source(%arg13 : memref<128x128xf32, #tpu.memory_space<vmem>>) target(%dma_start3A_193 : memref<128x128xf32, #tpu.memory_space<hbm>>) target_semaphore(%run_scoped3A : memref<!tpu.dma_semaphore, #tpu.memory_space<semaphore_mem>>)
      %dma_wait3A_194 = arith.constant 0 : i32
      %dma_wait3A_195 = tpu.memref_slice %arg6[%mul3A_18, %dma_wait3A_194] : memref<4096x128xf32, #tpu.memory_space<hbm>> -> memref<128x128xf32, #tpu.memory_space<hbm>>
      %dma_wait3A_196 = arith.constant 0 : i32
      %dma_wait3A_197 = tpu.memref_slice %arg6[%mul3A_18, %dma_wait3A_196] : memref<4096x128xf32, #tpu.memory_space<hbm>> -> memref<128x128xf32, #tpu.memory_space<hbm>>
      tpu.wait_dma2 semaphore(%run_scoped3A : memref<!tpu.dma_semaphore, #tpu.memory_space<semaphore_mem>>) src(%arg13 : memref<128x128xf32, #tpu.memory_space<vmem>>) dst(%dma_wait3A_197 : memref<128x128xf32, #tpu.memory_space<hbm>>)
      tpu.yield
    }) : () -> ()
    %mul3A_188 = arith.constant 16384 : i32
    %mul3A_189 = arith.muli %add3A, %mul3A_188 : i32
    "tpu.region"() ({
      %run_scoped3A = tpu.sem_alloc : memref<!tpu.dma_semaphore, #tpu.memory_space<semaphore_mem>>
      %dma_start3A_190 = tpu.memref_slice %arg7[%mul3A_189] : memref<524288xf32, #tpu.memory_space<hbm>> -> memref<16384xf32, #tpu.memory_space<hbm>>
      %dma_start3A_191 = tpu.memref_slice %arg7[%mul3A_189] : memref<524288xf32, #tpu.memory_space<hbm>> -> memref<16384xf32, #tpu.memory_space<hbm>>
      tpu.enqueue_dma source(%arg14 : memref<16384xf32, #tpu.memory_space<vmem>>) target(%dma_start3A_191 : memref<16384xf32, #tpu.memory_space<hbm>>) target_semaphore(%run_scoped3A : memref<!tpu.dma_semaphore, #tpu.memory_space<semaphore_mem>>)
      %dma_wait3A_192 = tpu.memref_slice %arg7[%mul3A_189] : memref<524288xf32, #tpu.memory_space<hbm>> -> memref<16384xf32, #tpu.memory_space<hbm>>
      %dma_wait3A_193 = tpu.memref_slice %arg7[%mul3A_189] : memref<524288xf32, #tpu.memory_space<hbm>> -> memref<16384xf32, #tpu.memory_space<hbm>>
      tpu.wait_dma2 semaphore(%run_scoped3A : memref<!tpu.dma_semaphore, #tpu.memory_space<semaphore_mem>>) src(%arg14 : memref<16384xf32, #tpu.memory_space<vmem>>) dst(%dma_wait3A_193 : memref<16384xf32, #tpu.memory_space<hbm>>)
      tpu.yield
    }) : () -> ()
    return
  }
}

module attributes {stable_mosaic.version = 14 : i64} {
  func.func @_token_body(%arg0: i32, %arg1: memref<4096x128xf32, #tpu.memory_space<vmem>>, %arg2: memref<150x128xf32, #tpu.memory_space<vmem>>, %arg3: memref<150xf32, #tpu.memory_space<vmem>>, %arg4: memref<150x150xf32, #tpu.memory_space<vmem>>, %arg5: memref<150xf32, #tpu.memory_space<vmem>>, %arg6: memref<1x150xf32, #tpu.memory_space<vmem>>, %arg7: memref<1x1xf32, #tpu.memory_space<vmem>>, %arg8: memref<4096xf32, #tpu.memory_space<vmem>>) attributes {dimension_semantics = [#tpu.dimension_semantics<arbitrary>], iteration_bounds = array<i64: 4>, scalar_prefetch = 0 : i64, scratch_operands = 0 : i64, tpu.core_type = #tpu.core_type<tc>, window_params = [{transform_indices = @transform_0, window_bounds = array<i64: 4096, 128>}, {pipeline_mode = #tpu.pipeline_mode<synchronous>, transform_indices = @transform_1, window_bounds = array<i64: 150, 128>}, {pipeline_mode = #tpu.pipeline_mode<synchronous>, transform_indices = @transform_2, window_bounds = array<i64: 150>}, {pipeline_mode = #tpu.pipeline_mode<synchronous>, transform_indices = @transform_3, window_bounds = array<i64: 150, 150>}, {pipeline_mode = #tpu.pipeline_mode<synchronous>, transform_indices = @transform_4, window_bounds = array<i64: 150>}, {pipeline_mode = #tpu.pipeline_mode<synchronous>, transform_indices = @transform_5, window_bounds = array<i64: 1, 150>}, {pipeline_mode = #tpu.pipeline_mode<synchronous>, transform_indices = @transform_6, window_bounds = array<i64: 1, 1>}, {transform_indices = @transform_7, window_bounds = array<i64: 4096>}]} {
    %get3A = arith.constant 0 : index
    %get3A_0 = arith.constant 0 : index
    %get3A_1 = vector.load %arg1[%get3A, %get3A_0] : memref<4096x128xf32, #tpu.memory_space<vmem>>, vector<4096x128xf32>
    %transpose3A = tpu.transpose %get3A_1, [1, 0] : vector<4096x128xf32> -> vector<128x4096xf32>
    %get3A_2 = arith.constant 0 : index
    %get3A_3 = vector.load %arg3[%get3A_2] : memref<150xf32, #tpu.memory_space<vmem>>, vector<150xf32>
    %reshape3A = vector.shape_cast %get3A_3 : vector<150xf32> to vector<150x1xf32>
    %get3A_4 = arith.constant 0 : index
    %get3A_5 = vector.load %arg5[%get3A_4] : memref<150xf32, #tpu.memory_space<vmem>>, vector<150xf32>
    %reshape3A_6 = vector.shape_cast %get3A_5 : vector<150xf32> to vector<150x1xf32>
    %get3A_7 = arith.constant 0 : index
    %get3A_8 = arith.constant 0 : index
    %get3A_9 = vector.load %arg2[%get3A_7, %get3A_8] : memref<150x128xf32, #tpu.memory_space<vmem>>, vector<150x128xf32>
    %dot_general3A = arith.constant dense<0.000000e+00> : vector<150x4096xf32>
    %dot_general3A_10 = tpu.matmul %get3A_9, %transpose3A, %dot_general3A {dimension_numbers = #tpu.dot_dimension_numbers<[1], [0], [0], [1], [0, 0, 1, 1], [], []>, transpose_lhs_hint = false} : vector<150x128xf32>, vector<128x4096xf32>, vector<150x4096xf32> -> vector<150x4096xf32>
    %add3A = vector.broadcast %reshape3A : vector<150x1xf32> to vector<150x4096xf32>
    %add3A_11 = arith.addf %dot_general3A_10, %add3A : vector<150x4096xf32>
    %max3A = arith.constant 0.000000e+00 : f32
    %max3A_12 = vector.broadcast %max3A : f32 to vector<150x4096xf32>
    %max3A_13 = arith.maximumf %add3A_11, %max3A_12 : vector<150x4096xf32>
    %get3A_14 = arith.constant 0 : index
    %get3A_15 = arith.constant 0 : index
    %get3A_16 = vector.load %arg4[%get3A_14, %get3A_15] : memref<150x150xf32, #tpu.memory_space<vmem>>, vector<150x150xf32>
    %dot_general3A_17 = arith.constant dense<0.000000e+00> : vector<150x4096xf32>
    %dot_general3A_18 = tpu.matmul %get3A_16, %max3A_13, %dot_general3A_17 {dimension_numbers = #tpu.dot_dimension_numbers<[0], [0], [1], [1], [0, 1, 1, 1], [], []>, transpose_lhs_hint = false} : vector<150x150xf32>, vector<150x4096xf32>, vector<150x4096xf32> -> vector<150x4096xf32>
    %add3A_19 = vector.broadcast %reshape3A_6 : vector<150x1xf32> to vector<150x4096xf32>
    %add3A_20 = arith.addf %dot_general3A_18, %add3A_19 : vector<150x4096xf32>
    %max3A_21 = arith.constant 0.000000e+00 : f32
    %max3A_22 = vector.broadcast %max3A_21 : f32 to vector<150x4096xf32>
    %max3A_23 = arith.maximumf %add3A_20, %max3A_22 : vector<150x4096xf32>
    %get3A_24 = arith.constant 0 : index
    %get3A_25 = arith.constant 0 : index
    %get3A_26 = vector.load %arg6[%get3A_24, %get3A_25] : memref<1x150xf32, #tpu.memory_space<vmem>>, vector<1x150xf32>
    %dot_general3A_27 = arith.constant dense<0.000000e+00> : vector<1x4096xf32>
    %dot_general3A_28 = tpu.matmul %get3A_26, %max3A_23, %dot_general3A_27 {dimension_numbers = #tpu.dot_dimension_numbers<[1], [0], [0], [1], [0, 0, 1, 1], [], []>, transpose_lhs_hint = false} : vector<1x150xf32>, vector<150x4096xf32>, vector<1x4096xf32> -> vector<1x4096xf32>
    %get3A_29 = arith.constant 0 : index
    %get3A_30 = arith.constant 0 : index
    %get3A_31 = vector.load %arg7[%get3A_29, %get3A_30] : memref<1x1xf32, #tpu.memory_space<vmem>>, vector<1x1xf32>
    %add3A_32 = vector.broadcast %get3A_31 : vector<1x1xf32> to vector<1x4096xf32>
    %add3A_33 = arith.addf %dot_general3A_28, %add3A_32 : vector<1x4096xf32>
    %reduce_sum3A = arith.constant dense<0.000000e+00> : vector<4096xf32>
    %reduce_sum3A_34 = vector.multi_reduction <add>, %transpose3A, %reduce_sum3A [0] : vector<128x4096xf32> to vector<4096xf32>
    %broadcast_in_dim3A = vector.shape_cast %reduce_sum3A_34 : vector<4096xf32> to vector<1x4096xf32>
    %mul3A = arith.mulf %add3A_33, %broadcast_in_dim3A : vector<1x4096xf32>
    %reshape3A_35 = vector.shape_cast %mul3A : vector<1x4096xf32> to vector<4096xf32>
    %swap3A = arith.constant 0 : index
    %swap3A_36 = vector.load %arg8[%swap3A] : memref<4096xf32, #tpu.memory_space<vmem>>, vector<4096xf32>
    tpu.vector_store %arg8[%swap3A], %reshape3A_35 {strides = array<i32>} : memref<4096xf32, #tpu.memory_space<vmem>>, vector<4096xf32>,
    return
  }
  func.func @transform_0(%arg0: i32) -> (i32, i32) {
    %c0_i32 = arith.constant 0 : i32
    %c0_i32_0 = arith.constant 0 : i32
    return %arg0, %c0_i32 : i32, i32
  }
  func.func @transform_1(%arg0: i32) -> (i32, i32) {
    %c0_i32 = arith.constant 0 : i32
    %c0_i32_0 = arith.constant 0 : i32
    %c0_i32_1 = arith.constant 0 : i32
    return %c0_i32, %c0_i32_0 : i32, i32
  }
  func.func @transform_2(%arg0: i32) -> i32 {
    %c0_i32 = arith.constant 0 : i32
    %c0_i32_0 = arith.constant 0 : i32
    return %c0_i32 : i32
  }
  func.func @transform_3(%arg0: i32) -> (i32, i32) {
    %c0_i32 = arith.constant 0 : i32
    %c0_i32_0 = arith.constant 0 : i32
    %c0_i32_1 = arith.constant 0 : i32
    return %c0_i32, %c0_i32_0 : i32, i32
  }
  func.func @transform_4(%arg0: i32) -> i32 {
    %c0_i32 = arith.constant 0 : i32
    %c0_i32_0 = arith.constant 0 : i32
    return %c0_i32 : i32
  }
  func.func @transform_5(%arg0: i32) -> (i32, i32) {
    %c0_i32 = arith.constant 0 : i32
    %c0_i32_0 = arith.constant 0 : i32
    %c0_i32_1 = arith.constant 0 : i32
    return %c0_i32, %c0_i32_0 : i32, i32
  }
  func.func @transform_6(%arg0: i32) -> (i32, i32) {
    %c0_i32 = arith.constant 0 : i32
    %c0_i32_0 = arith.constant 0 : i32
    %c0_i32_1 = arith.constant 0 : i32
    return %c0_i32, %c0_i32_0 : i32, i32
  }
  func.func @transform_7(%arg0: i32) -> i32 {
    %c0_i32 = arith.constant 0 : i32
    return %arg0 : i32
  }
}

module attributes {stable_mosaic.version = 14 : i64} {
  func.func @_span_body(%arg0: i32, %arg1: memref<1024x128xf32, #tpu.memory_space<vmem>>, %arg2: memref<1024x128xf32, #tpu.memory_space<vmem>>, %arg3: memref<1024x128xf32, #tpu.memory_space<vmem>>, %arg4: memref<384x150xf32, #tpu.memory_space<vmem>>, %arg5: memref<1x150xf32, #tpu.memory_space<vmem>>, %arg6: memref<150x150xf32, #tpu.memory_space<vmem>>, %arg7: memref<1x150xf32, #tpu.memory_space<vmem>>, %arg8: memref<150x1xf32, #tpu.memory_space<vmem>>, %arg9: memref<1x1xf32, #tpu.memory_space<vmem>>, %arg10: memref<1024x384xf32, #tpu.memory_space<vmem>>, %arg11: memref<1024xf32, #tpu.memory_space<vmem>>) attributes {dimension_semantics = [#tpu.dimension_semantics<arbitrary>], iteration_bounds = array<i64: 4>, scalar_prefetch = 0 : i64, scratch_operands = 0 : i64, tpu.core_type = #tpu.core_type<tc>, window_params = [{transform_indices = @transform_0, window_bounds = array<i64: 1024, 128>}, {transform_indices = @transform_1, window_bounds = array<i64: 1024, 128>}, {transform_indices = @transform_2, window_bounds = array<i64: 1024, 128>}, {pipeline_mode = #tpu.pipeline_mode<synchronous>, transform_indices = @transform_3, window_bounds = array<i64: 384, 150>}, {pipeline_mode = #tpu.pipeline_mode<synchronous>, transform_indices = @transform_4, window_bounds = array<i64: 1, 150>}, {pipeline_mode = #tpu.pipeline_mode<synchronous>, transform_indices = @transform_5, window_bounds = array<i64: 150, 150>}, {pipeline_mode = #tpu.pipeline_mode<synchronous>, transform_indices = @transform_6, window_bounds = array<i64: 1, 150>}, {pipeline_mode = #tpu.pipeline_mode<synchronous>, transform_indices = @transform_7, window_bounds = array<i64: 150, 1>}, {pipeline_mode = #tpu.pipeline_mode<synchronous>, transform_indices = @transform_8, window_bounds = array<i64: 1, 1>}, {transform_indices = @transform_9, window_bounds = array<i64: 1024, 384>}, {transform_indices = @transform_10, window_bounds = array<i64: 1024>}]} {
    %get3A = arith.constant 0 : index
    %get3A_0 = arith.constant 0 : index
    %get3A_1 = vector.load %arg1[%get3A, %get3A_0] : memref<1024x128xf32, #tpu.memory_space<vmem>>, vector<1024x128xf32>
    %get3A_2 = arith.constant 0 : index
    %get3A_3 = arith.constant 0 : index
    %get3A_4 = vector.load %arg2[%get3A_2, %get3A_3] : memref<1024x128xf32, #tpu.memory_space<vmem>>, vector<1024x128xf32>
    %get3A_5 = arith.constant 0 : index
    %get3A_6 = arith.constant 0 : index
    %get3A_7 = vector.load %arg3[%get3A_5, %get3A_6] : memref<1024x128xf32, #tpu.memory_space<vmem>>, vector<1024x128xf32>
    %swap3A = arith.constant 0 : index
    %swap3A_8 = arith.constant 0 : index
    %swap3A_9 = vector.load %arg10[%swap3A, %swap3A_8] : memref<1024x384xf32, #tpu.memory_space<vmem>>, vector<1024x128xf32>
    tpu.vector_store %arg10[%swap3A, %swap3A_8], %get3A_1 {strides = array<i32>} : memref<1024x384xf32, #tpu.memory_space<vmem>>, vector<1024x128xf32>,
    %swap3A_10 = arith.constant 0 : index
    %swap3A_11 = arith.constant 128 : index
    %swap3A_12 = vector.load %arg10[%swap3A_10, %swap3A_11] : memref<1024x384xf32, #tpu.memory_space<vmem>>, vector<1024x128xf32>
    tpu.vector_store %arg10[%swap3A_10, %swap3A_11], %get3A_4 {strides = array<i32>} : memref<1024x384xf32, #tpu.memory_space<vmem>>, vector<1024x128xf32>,
    %swap3A_13 = arith.constant 0 : index
    %swap3A_14 = arith.constant 256 : index
    %swap3A_15 = vector.load %arg10[%swap3A_13, %swap3A_14] : memref<1024x384xf32, #tpu.memory_space<vmem>>, vector<1024x128xf32>
    tpu.vector_store %arg10[%swap3A_13, %swap3A_14], %get3A_7 {strides = array<i32>} : memref<1024x384xf32, #tpu.memory_space<vmem>>, vector<1024x128xf32>,
    %get3A_16 = arith.constant 0 : index
    %get3A_17 = arith.constant 0 : index
    %get3A_18 = vector.load %arg4[%get3A_16, %get3A_17] : memref<384x150xf32, #tpu.memory_space<vmem>>, vector<128x150xf32>
    %dot_general3A = arith.constant dense<0.000000e+00> : vector<1024x150xf32>
    %dot_general3A_19 = tpu.matmul %get3A_1, %get3A_18, %dot_general3A {dimension_numbers = #tpu.dot_dimension_numbers<[1], [0], [0], [1], [0, 0, 1, 1], [], []>, transpose_lhs_hint = false} : vector<1024x128xf32>, vector<128x150xf32>, vector<1024x150xf32> -> vector<1024x150xf32>
    %get3A_20 = arith.constant 128 : index
    %get3A_21 = arith.constant 0 : index
    %get3A_22 = vector.load %arg4[%get3A_20, %get3A_21] : memref<384x150xf32, #tpu.memory_space<vmem>>, vector<128x150xf32>
    %dot_general3A_23 = arith.constant dense<0.000000e+00> : vector<1024x150xf32>
    %dot_general3A_24 = tpu.matmul %get3A_4, %get3A_22, %dot_general3A_23 {dimension_numbers = #tpu.dot_dimension_numbers<[1], [0], [0], [1], [0, 0, 1, 1], [], []>, transpose_lhs_hint = false} : vector<1024x128xf32>, vector<128x150xf32>, vector<1024x150xf32> -> vector<1024x150xf32>
    %add3A = arith.addf %dot_general3A_19, %dot_general3A_24 : vector<1024x150xf32>
    %get3A_25 = arith.constant 256 : index
    %get3A_26 = arith.constant 0 : index
    %get3A_27 = vector.load %arg4[%get3A_25, %get3A_26] : memref<384x150xf32, #tpu.memory_space<vmem>>, vector<128x150xf32>
    %dot_general3A_28 = arith.constant dense<0.000000e+00> : vector<1024x150xf32>
    %dot_general3A_29 = tpu.matmul %get3A_7, %get3A_27, %dot_general3A_28 {dimension_numbers = #tpu.dot_dimension_numbers<[1], [0], [0], [1], [0, 0, 1, 1], [], []>, transpose_lhs_hint = false} : vector<1024x128xf32>, vector<128x150xf32>, vector<1024x150xf32> -> vector<1024x150xf32>
    %add3A_30 = arith.addf %add3A, %dot_general3A_29 : vector<1024x150xf32>
    %get3A_31 = arith.constant 0 : index
    %get3A_32 = arith.constant 0 : index
    %get3A_33 = vector.load %arg5[%get3A_31, %get3A_32] : memref<1x150xf32, #tpu.memory_space<vmem>>, vector<1x150xf32>
    %add3A_34 = vector.broadcast %get3A_33 : vector<1x150xf32> to vector<1024x150xf32>
    %add3A_35 = arith.addf %add3A_30, %add3A_34 : vector<1024x150xf32>
    %max3A = arith.constant 0.000000e+00 : f32
    %max3A_36 = vector.broadcast %max3A : f32 to vector<1024x150xf32>
    %max3A_37 = arith.maximumf %add3A_35, %max3A_36 : vector<1024x150xf32>
    %get3A_38 = arith.constant 0 : index
    %get3A_39 = arith.constant 0 : index
    %get3A_40 = vector.load %arg6[%get3A_38, %get3A_39] : memref<150x150xf32, #tpu.memory_space<vmem>>, vector<150x150xf32>
    %dot_general3A_41 = arith.constant dense<0.000000e+00> : vector<1024x150xf32>
    %dot_general3A_42 = tpu.matmul %max3A_37, %get3A_40, %dot_general3A_41 {dimension_numbers = #tpu.dot_dimension_numbers<[1], [0], [0], [1], [0, 0, 1, 1], [], []>, transpose_lhs_hint = false} : vector<1024x150xf32>, vector<150x150xf32>, vector<1024x150xf32> -> vector<1024x150xf32>
    %get3A_43 = arith.constant 0 : index
    %get3A_44 = arith.constant 0 : index
    %get3A_45 = vector.load %arg7[%get3A_43, %get3A_44] : memref<1x150xf32, #tpu.memory_space<vmem>>, vector<1x150xf32>
    %add3A_46 = vector.broadcast %get3A_45 : vector<1x150xf32> to vector<1024x150xf32>
    %add3A_47 = arith.addf %dot_general3A_42, %add3A_46 : vector<1024x150xf32>
    %max3A_48 = arith.constant 0.000000e+00 : f32
    %max3A_49 = vector.broadcast %max3A_48 : f32 to vector<1024x150xf32>
    %max3A_50 = arith.maximumf %add3A_47, %max3A_49 : vector<1024x150xf32>
    %get3A_51 = arith.constant 0 : index
    %get3A_52 = arith.constant 0 : index
    %get3A_53 = vector.load %arg8[%get3A_51, %get3A_52] : memref<150x1xf32, #tpu.memory_space<vmem>>, vector<150x1xf32>
    %dot_general3A_54 = arith.constant dense<0.000000e+00> : vector<1024x1xf32>
    %dot_general3A_55 = tpu.matmul %max3A_50, %get3A_53, %dot_general3A_54 {dimension_numbers = #tpu.dot_dimension_numbers<[1], [0], [0], [1], [0, 0, 1, 1], [], []>, transpose_lhs_hint = false} : vector<1024x150xf32>, vector<150x1xf32>, vector<1024x1xf32> -> vector<1024x1xf32>
    %get3A_56 = arith.constant 0 : index
    %get3A_57 = arith.constant 0 : index
    %get3A_58 = vector.load %arg9[%get3A_56, %get3A_57] : memref<1x1xf32, #tpu.memory_space<vmem>>, vector<1x1xf32>
    %add3A_59 = vector.broadcast %get3A_58 : vector<1x1xf32> to vector<1024x1xf32>
    %add3A_60 = arith.addf %dot_general3A_55, %add3A_59 : vector<1024x1xf32>
    %reshape3A = vector.shape_cast %add3A_60 : vector<1024x1xf32> to vector<1024xf32>
    %swap3A_61 = arith.constant 0 : index
    %swap3A_62 = vector.load %arg11[%swap3A_61] : memref<1024xf32, #tpu.memory_space<vmem>>, vector<1024xf32>
    tpu.vector_store %arg11[%swap3A_61], %reshape3A {strides = array<i32>} : memref<1024xf32, #tpu.memory_space<vmem>>, vector<1024xf32>,
    return
  }
  func.func @transform_0(%arg0: i32) -> (i32, i32) {
    %c0_i32 = arith.constant 0 : i32
    %c0_i32_0 = arith.constant 0 : i32
    return %arg0, %c0_i32 : i32, i32
  }
  func.func @transform_1(%arg0: i32) -> (i32, i32) {
    %c0_i32 = arith.constant 0 : i32
    %c0_i32_0 = arith.constant 0 : i32
    return %arg0, %c0_i32 : i32, i32
  }
  func.func @transform_2(%arg0: i32) -> (i32, i32) {
    %c0_i32 = arith.constant 0 : i32
    %c0_i32_0 = arith.constant 0 : i32
    return %arg0, %c0_i32 : i32, i32
  }
  func.func @transform_3(%arg0: i32) -> (i32, i32) {
    %c0_i32 = arith.constant 0 : i32
    %c0_i32_0 = arith.constant 0 : i32
    %c0_i32_1 = arith.constant 0 : i32
    return %c0_i32, %c0_i32_0 : i32, i32
  }
  func.func @transform_4(%arg0: i32) -> (i32, i32) {
    %c0_i32 = arith.constant 0 : i32
    %c0_i32_0 = arith.constant 0 : i32
    %c0_i32_1 = arith.constant 0 : i32
    return %c0_i32, %c0_i32_0 : i32, i32
  }
  func.func @transform_5(%arg0: i32) -> (i32, i32) {
    %c0_i32 = arith.constant 0 : i32
    %c0_i32_0 = arith.constant 0 : i32
    %c0_i32_1 = arith.constant 0 : i32
    return %c0_i32, %c0_i32_0 : i32, i32
  }
  func.func @transform_6(%arg0: i32) -> (i32, i32) {
    %c0_i32 = arith.constant 0 : i32
    %c0_i32_0 = arith.constant 0 : i32
    %c0_i32_1 = arith.constant 0 : i32
    return %c0_i32, %c0_i32_0 : i32, i32
  }
  func.func @transform_7(%arg0: i32) -> (i32, i32) {
    %c0_i32 = arith.constant 0 : i32
    %c0_i32_0 = arith.constant 0 : i32
    %c0_i32_1 = arith.constant 0 : i32
    return %c0_i32, %c0_i32_0 : i32, i32
  }
  func.func @transform_8(%arg0: i32) -> (i32, i32) {
    %c0_i32 = arith.constant 0 : i32
    %c0_i32_0 = arith.constant 0 : i32
    %c0_i32_1 = arith.constant 0 : i32
    return %c0_i32, %c0_i32_0 : i32, i32
  }
  func.func @transform_9(%arg0: i32) -> (i32, i32) {
    %c0_i32 = arith.constant 0 : i32
    %c0_i32_0 = arith.constant 0 : i32
    return %arg0, %c0_i32 : i32, i32
  }
  func.func @transform_10(%arg0: i32) -> i32 {
    %c0_i32 = arith.constant 0 : i32
    return %arg0 : i32
  }
}

</mosaic_0001>

<sc_bundles>
// kernel: kernel.5.cloned.1.call-start
scs
__scs_entry_jumppad:
0x0: {  	(pc) =	sbr.rel $0x88, $3  }
0x1: {  	(tag) =	ssettag $0x0;
	lr =	simm.s32 $0x1  }
0x2: {  	[smem:$0x3F93] =	sst lr;
	_ =	strace $0xD0000000  }
0x3: {  	_ = 	snop  }
0x4: {  	_ = 	snop  }
0x5: {  	_ = 	snop  }
0x6: {  	_ = 	snop  }
0x7: {  	_ = 	snop  }
__scs_overlays_trampoline_lowered:
0x8: {  	[smem:$0x3FA2] =	sst s0  }
0x9: {  	[smem:$0x3FA3] =	sst s1  }
0xa: {  	[smem:$0x3FA4] =	sst s2  }
0xb: {  	[smem:$0x3FA5] =	sst s3  }
0xc: {  	[smem:$0x3FA6] =	sst s4  }
0xd: {  	[smem:$0x3FA7] =	sst s5  }
0xe: {  	[smem:$0x3FA8] =	sst s6  }
0xf: {  	[smem:$0x3FA9] =	sst s7  }
0x10: {  	[smem:$0x3FAA] =	sst s8  }
0x11: {  	[smem:$0x3FAB] =	sst s9;
	s0 =	simm.s32 @!p0 $0x0  }
0x12: {  	s1 =	sld [smem:$0x3F91];
	s0 =	simm.s32 @p0 $0x1  }
0x13: {  	[smem:$0x3FAC] =	sst s0;
	s0 =	simm.s32 @!p1 $0x0  }
0x14: {  	s2 =	sld [smem:$0x3F90];
	s0 =	simm.s32 @p1 $0x1  }
0x15: {  	[smem:$0x3FAD] =	sst s0;
	s0 =	simm.s32 @!p2 $0x0  }
0x16: {  	s3 =	sld [smem:$0x3FDB];
	s0 =	simm.s32 @p2 $0x1  }
0x17: {  	s4 =	simm.s32 $0x1BF5;
	[smem:$0x3FAF] =	sst s0  }
0x18: {  	s0 =	sld [smem:$0x3F92];
	_ =	swait.ge [sflag:s4], $0x0  }
0x19: {  	s7 =	sld [smem:$0x3F93]  }
0x1a: {  	s8 =	sadd.s32 $0xFFFFE003, lr  }
0x1b: {  	s9 =	sadd.s32 $0xFFFFFEF7, lr;
	s5 =	simm.s32 $0xFFFFFFFF;
	p2 =	slt.u32 s8, $0xFFFFF086  }
0x1c: {  	p1 =	slt.u32 s9, $0xF7A;
	s5 =	simm.s32 @!p2 $0x0  }
0x1d: {  	s5 =	simm.s32 @p1 $0x1;
	p0 =	seq.s32 s7, s2  }
0x1e: {  	s7 =	smul.u32 @!p0 $0xF7A, s2;
	p2 =	seq.s32 @!p0 s5, $0x0  }
0x1f: {  	s9 =	smul.u32 $0xF7A, s1;
	s8 =	simm.s32 @!p0 $0x1BF5;
	p2 =	por !p2, p0  }
0x20: {  	[sflag:s8] =	ssyncset.s32 @!p0 $0xFFFFF086;
	s6 =	sadd.s32 @!p0 s3, s7;
	s7 =	simm.s32 @!p0 $0x108  }
0x21: {  	s3 =	sadd.s32 s3, s9;
	s6 =	sadd.s32 @!p0 $0x88, s6;
	s7 =	simm.s32 @p2 $0x1082  }
0x22: {  	[simem:s7], [sflag:s8] =	dma.local @!p0 [hbm:s6], $0xF7A  }
0x23: {  	s9 =	sor.u32 $0xD0000000, s2;
	s6 =	simm.s32 $0x108;
	_ =	swait.ge @!p0 [sflag:s8], $0x0  }
0x24: {  	s3 =	sadd.s32 $0x88, s3;
	s6 =	simm.s32 @!p1 $0x1082;
	[sflag:s4] =	ssyncset.s32 $0xFFFFF086  }
0x25: {  	[simem:s6], [sflag:s4] =	dma.local [hbm:s3], $0xF7A  }
0x26: {  	[smem:$0x3F93] =	sst s1;
	(tag) =	ssettag s2;
	_ =	strace s9  }
0x27: {  	s1 =	sld [smem:$0x3FA3]  }
0x28: {  	s2 =	sld [smem:$0x3FA4]  }
0x29: {  	s4 =	sld [smem:$0x3FA6]  }
0x2a: {  	p0 =	seq.s32 s5, $0x0;
	s5 =	sld [smem:$0x3FA7]  }
0x2b: {  	s6 =	sld [smem:$0x3FA8]  }
0x2c: {  	s7 =	sld [smem:$0x3FA9]  }
0x2d: {  	s3 =	simm.s32 $0x108;
	s8 =	sld [smem:$0x3FAA]  }
0x2e: {  	s3 =	simm.s32 @!p0 $0x1082;
	s9 =	sld [smem:$0x3FAB]  }
0x2f: {  	lr =	sadd.s32 s0, s3;
	s0 =	sld [smem:$0x3FA2]  }
0x30: {  	s3 =	sld [smem:$0x3FA5]  }
0x31: {  	[smem:$0x3FAE] =	sst s10  }
0x32: {  	s10 =	sld [smem:$0x3FAC];
	_ =	sdelay $0x3  }
0x33: {  	p0 =	seq.s32 s10, $0x1;
	s10 =	sld [smem:$0x3FAE];
	_ =	sdelay $0x3  }
0x34: {  	[smem:$0x3FAE] =	sst s10  }
0x35: {  	s10 =	sld [smem:$0x3FAD];
	_ =	sdelay $0x3  }
0x36: {  	p1 =	seq.s32 s10, $0x1;
	s10 =	sld [smem:$0x3FAE];
	_ =	sdelay $0x3  }
0x37: {  	[smem:$0x3FAE] =	sst s10  }
0x38: {  	s10 =	sld [smem:$0x3FAF]  }
0x39: {  	_ = 	snop;
	(pc) =	sbr.ind lr, $3  }
0x3a: {  	_ = 	snop  }
0x3b: {  	_ = 	snop  }
0x3c: {  	p2 =	seq.s32 s10, $0x1;
	s10 =	sld [smem:$0x3FAE]  }
0x3d: {  	_ =	shalt  }
0x3e: {  	_ =	shalt  }
0x3f: {  	_ =	shalt  }
0x40: {  	_ =	shalt  }
0x41: {  	_ =	shalt  }
0x42: {  	_ =	shalt  }
0x43: {  	_ =	shalt  }
0x44: {  	_ =	shalt  }
0x45: {  	_ =	shalt  }
0x46: {  	_ =	shalt  }
0x47: {  	_ =	shalt  }
0x48: {  	_ =	shalt  }
0x49: {  	_ =	shalt  }
0x4a: {  	_ =	shalt  }
0x4b: {  	_ =	shalt  }
0x4c: {  	_ =	shalt  }
0x4d: {  	_ =	shalt  }
0x4e: {  	_ =	shalt  }
0x4f: {  	_ =	shalt  }
0x50: {  	_ =	shalt  }
0x51: {  	_ =	shalt  }
0x52: {  	_ =	shalt  }
0x53: {  	_ =	shalt  }
0x54: {  	_ =	shalt  }
0x55: {  	_ =	shalt  }
0x56: {  	_ =	shalt  }
0x57: {  	_ =	shalt  }
0x58: {  	_ =	shalt  }
0x59: {  	_ =	shalt  }
0x5a: {  	_ =	shalt  }
0x5b: {  	_ =	shalt  }
0x5c: {  	_ =	shalt  }
0x5d: {  	_ =	shalt  }
0x5e: {  	_ =	shalt  }
0x5f: {  	_ =	shalt  }
0x60: {  	_ =	shalt  }
0x61: {  	_ =	shalt  }
0x62: {  	_ =	shalt  }
0x63: {  	_ =	shalt  }
0x64: {  	_ =	shalt  }
0x65: {  	_ =	shalt  }
0x66: {  	_ =	shalt  }
0x67: {  	_ =	shalt  }
0x68: {  	_ =	shalt  }
0x69: {  	_ =	shalt  }
0x6a: {  	_ =	shalt  }
0x6b: {  	_ =	shalt  }
0x6c: {  	_ =	shalt  }
0x6d: {  	_ =	shalt  }
0x6e: {  	_ =	shalt  }
0x6f: {  	_ =	shalt  }
0x70: {  	_ =	shalt  }
0x71: {  	_ =	shalt  }
0x72: {  	_ =	shalt  }
0x73: {  	_ =	shalt  }
0x74: {  	_ =	shalt  }
0x75: {  	_ =	shalt  }
0x76: {  	_ =	shalt  }
0x77: {  	_ =	shalt  }
0x78: {  	_ =	shalt  }
0x79: {  	_ =	shalt  }
0x7a: {  	_ =	shalt  }
0x7b: {  	_ =	shalt  }
0x7c: {  	_ =	shalt  }
0x7d: {  	_ =	shalt  }
0x7e: {  	_ =	shalt  }
0x7f: {  	_ =	shalt  }
0x80: {  	_ =	shalt  }
0x81: {  	_ =	shalt  }
0x82: {  	_ =	shalt  }
0x83: {  	_ =	shalt  }
0x84: {  	_ =	shalt  }
0x85: {  	_ =	shalt  }
0x86: {  	_ =	shalt  }
0x87: {  	_ =	shalt  }
.Lfunc_end0:
.L_simem_size_0:
called_computation_lowered:
.L_overlay_start_0:
0x88: {  	s2 =	sld [smem:$0x3FD9]  }
0x89: {  	s3 =	sld [smem:$0x3FFE];
	_ =	sdelay $0x1  }
0x8a: {  	s1 =	srdreg.scid  }
0x8b: {  	s0 =	sand.u32 $0x1, s1  }
0x8c: {  	s14 =	sshll.u32 s0, $0xA;
	s2 =	sadd.s32 s3, s2  }
0x8d: {  	s2 =	sadd.s32 s2, s14  }
0x8e: {  	[smem:$0x3FBA] =	sst s2  }
0x8f: {  	_ = 	snop  }
0x90: {  	s2 =	sld [smem:$0x3FD0];
	_ =	sdelay $0x1  }
0x91: {  	s15 =	sld [smem:$0x3FC9]  }
0x92: {  	s5 =	simm.s32 $0xA;
	s6 =	simm.s32 $0x10;
	s4 =	sld [smem:$0x3FC8]  }
0x93: {  	[smem:s6], [sflag:s5] =	dma.local [hbm:s2], $0x1  }
0x94: {  	_ =	swait.eq [sflag:s5], $0x1  }
0x95: {  	[sflag:s5] =	ssyncset.done $0x0  }
0x96: {  	[sflag:s5] =	ssyncadd.s32 $0xFFFFFFFF  }
0x97: {  	s16 =	sld [smem:$0x10];
	(tm) =	ssettm $0x1  }
0x98: {  	s17 =	sld [smem:$0x3FFB];
	_ =	sdelay $0x3  }
0x99: {  	_ =	strace s17  }
0x9a: {  	s5 =	sld [smem:$0x3FFC];
	_ =	sdelay $0x3  }
0x9b: {  	_ =	strace s5  }
0x9c: {  	s5 =	sld [smem:$0x3FFD];
	_ =	sdelay $0x3  }
0x9d: {  	_ =	strace s5  }
0x9e: {  	_ =	strace $0x8FFFFFFF  }
0x9f: {  	s18 =	sld [smem:$0x3FDB];
	_ =	sdelay $0x1  }
0xa0: {  	s19 =	simm.s32 $_scs_section_size  }
0xa1: {  	s7 =	simm.s32 $_size__tile_overlayer_lowered;
	s8 =	simm.s32 $_tile_overlayer_lowered  }
0xa2: {  	s22 =	simm.s32 $0x1BFF;
	s21 =	sshll.u32 s8, $0x1;
	s5 =	sadd.s32 s19, s18  }
0xa3: {  	s9 =	simm.s32 $0x0;
	s20 =	sshll.u32 s7, $0x1;
	s7 =	sadd.s32 s21, s5  }
0xa4: {  	[timem:s9], [sflag:s22] =	dma.local [hbm:s7], s20  }
0xa5: {  	_ =	swait.ge [sflag:s22], s20  }
0xa6: {  	s6 =	ssub.s32 $0x0, s20;
	[sflag:s22] =	ssyncset.done $0x0  }
0xa7: {  	[sflag:s22] =	ssyncadd.s32 s6;
	_ =	sdelay $0x1  }
0xa8: {  	s23 =	simm.s32 $0x1B8B  }
0xa9: {  	_ =	swait.ge [sflag:s23], $0x1  }
0xaa: {  	[sflag:s23] =	ssyncset.done $0x0  }
0xab: {  	s25 =	simm.s32 $0x1B8E;
	s24 =	sld [smem:$0x3FFE];
	[sflag:s23] =	ssyncadd.s32 $0xFFFFFFFF  }
0xac: {  	s26 =	simm.s32 $execute0_lowered;
	[smem:$0x3FD2] =	sst s25  }
0xad: {  	s7 =	sshll.u32 s26, $0x1;
	_ =	strace $0x80000046;
	[dreg:$0x1] =	wrdreg $0xFFFFFFFF  }
0xae: {  	s28 =	simm.s32 $_size_execute0_lowered;
	s5 =	sadd.s32 s5, s7;
	[dreg:$0x0] =	wrdreg $0x0  }
0xaf: {  	s7 =	sshll.u32 s28, $0x1;
	[dreg:$0x2] =	wrdreg s5  }
0xb0: {  	[dreg:$0x3] =	wrdreg s7  }
0xb1: {  	[dreg:$0x4] =	wrdreg $0xC0  }
0xb2: {  	_ =	task [dreg:s9], $0x5FFFF  }
0xb3: {  	[dreg:$0x1] =	wrdreg $0xFFFFFFFF  }
0xb4: {  	[dreg:$0x0] =	wrdreg $0x60  }
0xb5: {  	[dreg:$0x2] =	wrdreg s15  }
0xb6: {  	[dreg:$0x3] =	wrdreg s4  }
0xb7: {  	[dreg:$0x4] =	wrdreg s24  }
0xb8: {  	[dreg:$0x5] =	wrdreg s16  }
0xb9: {  	[dreg:$0x6] =	wrdreg $0x9  }
0xba: {  	_ =	task.clear_ibuf [dreg:s9], $0x7FFFF;
	_ =	strace $0x90000046  }
0xbb: {  	s29 =	simm.s32 $0x9;
	_ =	strace $0x80000048  }
0xbc: {  	_ =	swait.ge [sflag:s29], $0x1  }
0xbd: {  	[sflag:s29] =	ssyncadd.s32 $0xFFFFFFFF  }
0xbe: {  	_ =	strace $0x90000048  }
0xbf: {  	_ =	sfence  }
0xc0: {  	s30 =	sld [smem:$0x0];
	_ =	sdelay $0x2  }
0xc1: {  	s31 =	sshll.u32 s1, $0xD;
	s1 =	sshrl.u32 s1, $0x2  }
0xc2: {  	s3 =	sand.u32 $0x4000, s31;
	s1 =	sadd.s32 s1, s30  }
0xc3: {  	s0 =	sor.u32 s3, s0;
	s1 =	sshll.u32 s1, $0x11  }
0xc4: {  	s0 =	sor.u32 s1, s0  }
0xc5: {  	s0 =	sadd.s32 $0x8F2B, s0  }
0xc6: {  	[sflag:s0] =	ssyncadd.remote.s32 $0x1  }
0xc7: {  	_ =	sfence.sel $0xFFFF  }
0xc8: {  	[dreg:$0x0] =	wrdreg $0xFFFFFFFF;
	(pc) =	sbr.abs _section_cstart, $3  }
0xc9: {  	[dreg:$0x1] =	wrdreg $0xFFFFFFFF  }
0xca: {  	_ =	task.clear_ibuf [dreg:s9], $0x2FFFF;
	_ =	strace $0x9FFFFFFF  }
0xcb: {  	(tm) =	ssettm $0x7FFFFFFF  }
tec
execute0_lowered:
.L_overlay_start_1:
0x0: {  	(tag) =	ssettag $0x1  }
0x1: {  	s2 =	rddreg [dreg:$0x0]  }
0x2: {  	s4 =	rddreg [dreg:$0x1]  }
0x3: {  	s5 =	rddreg [dreg:$0x2]  }
0x4: {  	s6 =	rddreg [dreg:$0x3];
	s1 =	stileid.u32  }
0x5: {  	s0 =	rddreg [dreg:$0x4];
	s3 =	simm.s32 $0x0;
	s8 =	srdreg.scid  }
0x6: {  	s13 =	simm.s32 $0x4900;
	s14 =	simm.s32 $0x4880;
	s15 =	simm.s32 $0x8900  }
0x7: {  	s16 =	simm.s32 $0x4000;
	s17 =	simm.s32 $0x1;
	s18 =	simm.s32 $0xC900  }
0x8: {  	v0 =	vlaneseq.u32;
	s19 =	simm.s32 $0x0;
	s7 =	sshll.u32 s1, $0xA;
	[smem:$0x7FF] =	sst s3  }
0x9: {  	s8 =	sand.u32 $0x1, s8;
	s10 =	sshll.u32 s1, $0xC;
	v0 =	vmul.u32 $0x80, v0;
	s7 =	sand.u32 $0x3800, s7  }
0xa: {  	_ =	strace $0x80000047;
	s11 =	sshll.u32 s8, $0xB;
	s8 =	ssub.s32 $0x2, s8;
	v1 =	vmov s7  }
0xb: {  	s9 =	sshrl.u32 s7, $0x3;
	s10 =	sor.u32 s11, s10;
	s31 =	sshrl.u32 s8, $0x1;
	v2 =	vor.u32 $0x7F, v0;
	v3 =	vor.u32 $0x800, v0;
	v4 =	vor.u32 $0x87F, v0  }
0xc: {  	v5 =	vor.u32 $0x1000, v0;
	v6 =	vor.u32 $0x107F, v0;
	v7 =	vor.u32 $0x1800, v0;
	s9 =	sadd.s32 s9, s5;
	s12 =	sadd.s32 s10, s5;
	s11 =	ssub.s32 s8, s31  }
0xd: {  	v8 =	vor.u32 $0x187F, v0;
	v9 =	vor.u32 $0x2000, v0;
	v10 =	vor.u32 $0x207F, v0;
	s4 =	sadd.s32 s4, s10;
	s6 =	sadd.s32 s6, s10;
	s10 =	simm.s32 $0x2  }
0xe: {  	v11 =	vor.u32 $0x2800, v0;
	v12 =	vor.u32 $0x287F, v0;
	v13 =	vor.u32 $0x3000, v0;
	s5 =	sadd.s32 $0x2800, s9;
	s7 =	sadd.s32 $0x3000, s12;
	s8 =	sadd.s32 $0x13000, s12  }
0xf: {  	v14 =	vor.u32 $0x307F, v0;
	v15 =	vor.u32 $0x3800, v0;
	v16 =	vor.u32 $0x387F, v0;
	s9 =	smax.u32 s11, $0x1;
	s11 =	simm.s32 $0x80;
	s12 =	simm.s32 $0x4800  }
.LBB2_1:
0x10: {  	[tilespmem:s3], [sflag:$0x2] =	stream.linear.gather [hbm4b:s4+s3], $0x4000, $0x38;
	[tilespmem:$0x10900] =	vst v63  }
0x11: {  	_ =	swait.ge [sflag:s10], $0x4000  }
0x12: {  	[sflag:s10] =	ssyncset.done $0x0  }
0x13: {  	[sflag:s10] =	ssyncadd.s32 $0xFFFFC000  }
0x14: {  	v17 =	vld.idx.msk [tilespmem:v0+s3+$0x0], $0xffff;
	_ =	sdelay $0x4  }
0x15: {  	v17 =	vadd.s32 v1, v17  }
0x16: {  	[tilespmem:$0x4800] =	vst v17  }
0x17: {  	v17 =	vld.idx.msk [tilespmem:v2+s3+$0x0], $0xffff;
	_ =	sdelay $0x4  }
0x18: {  	v17 =	vadd.s32 v1, v17  }
0x19: {  	[tilespmem:$0x4880] =	vst v17  }
0x1a: {  	v17 =	vld.idx.msk [tilespmem:v3+s3+$0x0], $0xffff;
	_ =	sdelay $0x4  }
0x1b: {  	v17 =	vadd.s32 v1, v17  }
0x1c: {  	[tilespmem:$0x4810] =	vst v17  }
0x1d: {  	v17 =	vld.idx.msk [tilespmem:v4+s3+$0x0], $0xffff;
	_ =	sdelay $0x4  }
0x1e: {  	v17 =	vadd.s32 v1, v17  }
0x1f: {  	[tilespmem:$0x4890] =	vst v17  }
0x20: {  	v17 =	vld.idx.msk [tilespmem:v5+s3+$0x0], $0xffff;
	_ =	sdelay $0x4  }
0x21: {  	v17 =	vadd.s32 v1, v17  }
0x22: {  	[tilespmem:$0x4820] =	vst v17  }
0x23: {  	v17 =	vld.idx.msk [tilespmem:v6+s3+$0x0], $0xffff;
	_ =	sdelay $0x4  }
0x24: {  	v17 =	vadd.s32 v1, v17  }
0x25: {  	[tilespmem:$0x48A0] =	vst v17  }
0x26: {  	v17 =	vld.idx.msk [tilespmem:v7+s3+$0x0], $0xffff;
	_ =	sdelay $0x4  }
0x27: {  	v17 =	vadd.s32 v1, v17  }
0x28: {  	[tilespmem:$0x4830] =	vst v17  }
0x29: {  	v17 =	vld.idx.msk [tilespmem:v8+s3+$0x0], $0xffff;
	_ =	sdelay $0x4  }
0x2a: {  	v17 =	vadd.s32 v1, v17  }
0x2b: {  	[tilespmem:$0x48B0] =	vst v17  }
0x2c: {  	v17 =	vld.idx.msk [tilespmem:v9+s3+$0x0], $0xffff;
	_ =	sdelay $0x4  }
0x2d: {  	v17 =	vadd.s32 v1, v17  }
0x2e: {  	[tilespmem:$0x4840] =	vst v17  }
0x2f: {  	v17 =	vld.idx.msk [tilespmem:v10+s3+$0x0], $0xffff;
	_ =	sdelay $0x4  }
0x30: {  	v17 =	vadd.s32 v1, v17  }
0x31: {  	[tilespmem:$0x48C0] =	vst v17  }
0x32: {  	v17 =	vld.idx.msk [tilespmem:v11+s3+$0x0], $0xffff;
	_ =	sdelay $0x4  }
0x33: {  	v17 =	vadd.s32 v1, v17  }
0x34: {  	[tilespmem:$0x4850] =	vst v17  }
0x35: {  	v17 =	vld.idx.msk [tilespmem:v12+s3+$0x0], $0xffff;
	_ =	sdelay $0x4  }
0x36: {  	v17 =	vadd.s32 v1, v17  }
0x37: {  	[tilespmem:$0x48D0] =	vst v17  }
0x38: {  	v17 =	vld.idx.msk [tilespmem:v13+s3+$0x0], $0xffff;
	_ =	sdelay $0x4  }
0x39: {  	v17 =	vadd.s32 v1, v17  }
0x3a: {  	[tilespmem:$0x4860] =	vst v17  }
0x3b: {  	v17 =	vld.idx.msk [tilespmem:v14+s3+$0x0], $0xffff;
	_ =	sdelay $0x4  }
0x3c: {  	v17 =	vadd.s32 v1, v17  }
0x3d: {  	[tilespmem:$0x48E0] =	vst v17  }
0x3e: {  	v17 =	vld.idx.msk [tilespmem:v15+s3+$0x0], $0xffff;
	_ =	sdelay $0x4  }
0x3f: {  	v17 =	vadd.s32 v1, v17  }
0x40: {  	[tilespmem:$0x4870] =	vst v17  }
0x41: {  	v17 =	vld.idx.msk [tilespmem:v16+s3+$0x0], $0xffff;
	_ =	sdelay $0x4  }
0x42: {  	v17 =	vadd.s32 v1, v17  }
0x43: {  	[tilespmem:$0x48F0] =	vst v17  }
0x44: {  	[tilespmem:s13], [sflag:$0x1] =	stream.indirect.gather [hbm4b:s2+s11], $0x80, s12, s11, $0xb8;
	[tilespmem:$0x10900] =	vst v63  }
0x45: {  	_ = 	snop  }
0x46: {  	[tilespmem:s15], [sflag:$0x1] =	stream.indirect.gather [hbm4b:s2+s11], $0x80, s14, s11, $0xb8;
	[tilespmem:$0x10900] =	vst v63  }
0x47: {  	_ = 	snop  }
0x48: {  	[tilespmem:s16], [sflag:$0x2] =	stream.linear.gather [hbm4b:s5+s3], $0x800, $0x38;
	[tilespmem:$0x10900] =	vst v63  }
0x49: {  	_ =	swait.ge [sflag:s10], $0x800  }
0x4a: {  	[sflag:s10] =	ssyncset.done $0x0  }
0x4b: {  	s20 =	simm.s32 $0x0;
	[sflag:s10] =	ssyncadd.s32 $0xFFFFF800  }
0x4c: {  	v17 =	vld [tilespmem:s20+$0x0];
	_ =	sdelay $0x5  }
0x4d: {  	v18 =	vld [tilespmem:s20+$0x10];
	_ =	sdelay $0x1  }
0x4e: {  	v17 =	vld.idx.msk [tilespmem:v17+s16+$0x0], $0xffff;
	_ =	sdelay $0x4  }
0x4f: {  	[tilespmem:s20+$0xC900] =	vst v17;
	v17 =	vld [tilespmem:s20+$0x20]  }
0x50: {  	v18 =	vld.idx.msk [tilespmem:v18+s16+$0x0], $0xffff;
	_ =	sdelay $0x4  }
0x51: {  	[tilespmem:s20+$0xC910] =	vst v18;
	v18 =	vld [tilespmem:s20+$0x30];
	_ =	sdelay $0x1  }
0x52: {  	v17 =	vld.idx.msk [tilespmem:v17+s16+$0x0], $0xffff;
	_ =	sdelay $0x4  }
0x53: {  	[tilespmem:s20+$0xC920] =	vst v17;
	v17 =	vld [tilespmem:s20+$0x40]  }
0x54: {  	v18 =	vld.idx.msk [tilespmem:v18+s16+$0x0], $0xffff;
	_ =	sdelay $0x4  }
0x55: {  	[tilespmem:s20+$0xC930] =	vst v18;
	v18 =	vld [tilespmem:s20+$0x50];
	_ =	sdelay $0x1  }
0x56: {  	v17 =	vld.idx.msk [tilespmem:v17+s16+$0x0], $0xffff;
	_ =	sdelay $0x4  }
0x57: {  	v19 =	vld [tilespmem:s20+$0x60];
	[tilespmem:s20+$0xC940] =	vst v17  }
0x58: {  	v17 =	vld.idx.msk [tilespmem:v18+s16+$0x0], $0xffff;
	_ =	sdelay $0x4  }
0x59: {  	[tilespmem:s20+$0xC950] =	vst v17;
	v17 =	vld [tilespmem:s20+$0x70];
	_ =	sdelay $0x1  }
0x5a: {  	v18 =	vld.idx.msk [tilespmem:v19+s16+$0x0], $0xffff;
	_ =	sdelay $0x3  }
0x5b: {  	s22 =	simm.s32 $0x80;
	s21 =	simm.s32 $0x400  }
.LBB2_2:
0x5c: {  	p0 =	sne.s32 s21, $0xFE00;
	v19 =	vld [tilespmem:s22+$0x0];
	[tilespmem:s20+$0xC960] =	vst v18  }
0x5d: {  	v17 =	vld.idx.msk [tilespmem:v17+s16+$0x0], $0xffff;
	_ =	sdelay $0x5  }
0x5e: {  	v18 =	vld [tilespmem:s22+$0x10];
	[tilespmem:s20+$0xC970] =	vst v17;
	s20 =	smov.u32 s22  }
0x5f: {  	v17 =	vld.idx.msk [tilespmem:v19+s16+$0x0], $0xffff;
	_ =	sdelay $0x5  }
0x60: {  	[tilespmem:s20+$0xC900] =	vst v17;
	v17 =	vld [tilespmem:s20+$0x20]  }
0x61: {  	v18 =	vld.idx.msk [tilespmem:v18+s16+$0x0], $0xffff;
	_ =	sdelay $0x5  }
0x62: {  	[tilespmem:s20+$0xC910] =	vst v18;
	v18 =	vld [tilespmem:s20+$0x30]  }
0x63: {  	v17 =	vld.idx.msk [tilespmem:v17+s16+$0x0], $0xffff;
	_ =	sdelay $0x5  }
0x64: {  	[tilespmem:s20+$0xC920] =	vst v17;
	v17 =	vld [tilespmem:s20+$0x40]  }
0x65: {  	v18 =	vld.idx.msk [tilespmem:v18+s16+$0x0], $0xffff;
	_ =	sdelay $0x5  }
0x66: {  	[tilespmem:s20+$0xC930] =	vst v18;
	v18 =	vld [tilespmem:s20+$0x50]  }
0x67: {  	v17 =	vld.idx.msk [tilespmem:v17+s16+$0x0], $0xffff;
	_ =	sdelay $0x5  }
0x68: {  	[tilespmem:s20+$0xC940] =	vst v17;
	v19 =	vld [tilespmem:s20+$0x60]  }
0x69: {  	v17 =	vld.idx.msk [tilespmem:v18+s16+$0x0], $0xffff;
	_ =	sdelay $0x5  }
0x6a: {  	[tilespmem:s20+$0xC950] =	vst v17;
	v17 =	vld [tilespmem:s20+$0x70]  }
0x6b: {  	v18 =	vld.idx.msk [tilespmem:v19+s16+$0x0], $0xffff  }
.Ltmp0:
0x6c: {  	(pc) =	sbr.rel @p0 .LBB2_2-.Ltmp0, $2  }
0x6d: {  	_ =	sdelay $0x2  }
0x6e: {  	s22 =	sshra.s32 s21, $0x2;
	s21 =	sadd.s32 $0x200, s21  }
0x6f: {  	_ =	sdelay $0x1  }
0x70: {  	v19 =	vld [tilespmem:s22+$0x0]  }
0x71: {  	[tilespmem:s20+$0xC960] =	vst v18  }
0x72: {  	v17 =	vld.idx.msk [tilespmem:v17+s16+$0x0], $0xffff;
	_ =	sdelay $0x3  }
0x73: {  	v18 =	vld [tilespmem:s22+$0x10]  }
0x74: {  	[tilespmem:s20+$0xC970] =	vst v17  }
0x75: {  	v17 =	vld.idx.msk [tilespmem:v19+s16+$0x0], $0xffff;
	_ =	sdelay $0x4  }
0x76: {  	[tilespmem:s22+$0xC900] =	vst v17;
	v17 =	vld [tilespmem:s22+$0x20]  }
0x77: {  	v18 =	vld.idx.msk [tilespmem:v18+s16+$0x0], $0xffff;
	_ =	sdelay $0x4  }
0x78: {  	[tilespmem:s22+$0xC910] =	vst v18;
	v18 =	vld [tilespmem:s22+$0x30];
	_ =	sdelay $0x1  }
0x79: {  	v17 =	vld.idx.msk [tilespmem:v17+s16+$0x0], $0xffff;
	_ =	sdelay $0x4  }
0x7a: {  	[tilespmem:s22+$0xC920] =	vst v17;
	v17 =	vld [tilespmem:s22+$0x40]  }
0x7b: {  	v18 =	vld.idx.msk [tilespmem:v18+s16+$0x0], $0xffff;
	_ =	sdelay $0x4  }
0x7c: {  	[tilespmem:s22+$0xC930] =	vst v18;
	v18 =	vld [tilespmem:s22+$0x50];
	_ =	sdelay $0x1  }
0x7d: {  	v17 =	vld.idx.msk [tilespmem:v17+s16+$0x0], $0xffff;
	_ =	sdelay $0x4  }
0x7e: {  	[tilespmem:s22+$0xC940] =	vst v17;
	v17 =	vld [tilespmem:s22+$0x60]  }
0x7f: {  	v18 =	vld.idx.msk [tilespmem:v18+s16+$0x0], $0xffff;
	_ =	sdelay $0x4  }
0x80: {  	[tilespmem:s22+$0xC950] =	vst v18;
	v18 =	vld [tilespmem:s22+$0x70];
	_ =	sdelay $0x1  }
0x81: {  	v17 =	vld.idx.msk [tilespmem:v17+s16+$0x0], $0xffff;
	_ =	sdelay $0x4  }
0x82: {  	[tilespmem:s22+$0xC960] =	vst v17  }
0x83: {  	v17 =	vld.idx.msk [tilespmem:v18+s16+$0x0], $0xffff;
	_ =	sdelay $0x4  }
0x84: {  	[tilespmem:s22+$0xC970] =	vst v17  }
0x85: {  	_ =	swait.ge [sflag:s17], $0x4000  }
0x86: {  	[sflag:s17] =	ssyncset.done $0x0  }
0x87: {  	[sflag:s17] =	ssyncadd.s32 $0xFFFFC000  }
0x88: {  	_ =	swait.ge [sflag:s17], $0x4000  }
0x89: {  	[sflag:s17] =	ssyncset.done $0x0  }
0x8a: {  	[sflag:s17] =	ssyncadd.s32 $0xFFFFC000  }
0x8b: {  	[hbm4b:s6+s3] =	stream.linear.scatter [tilespmem:s13], [sflag:$0x2], $0x4000, $0x38;
	[tilespmem:$0x10900] =	vst v63  }
0x8c: {  	_ =	swait.ge [sflag:s10], $0x4000  }
0x8d: {  	[sflag:s10] =	ssyncset.done $0x0  }
0x8e: {  	[sflag:s10] =	ssyncadd.s32 $0xFFFFC000  }
0x8f: {  	[hbm4b:s7+s3] =	stream.linear.scatter [tilespmem:s15], [sflag:$0x2], $0x4000, $0x38;
	[tilespmem:$0x10900] =	vst v63  }
0x90: {  	s19 =	sadd.s32 $0x1, s19;
	_ =	swait.ge [sflag:s10], $0x4000  }
0x91: {  	p0 =	sne.s32 s19, s9;
	[sflag:s10] =	ssyncset.done $0x0  }
.Ltmp1:
0x92: {  	[sflag:s10] =	ssyncadd.s32 $0xFFFFC000;
	(pc) =	sbr.rel @p0 .LBB2_1-.Ltmp1, $4  }
0x93: {  	[hbm4b:s8+s3] =	stream.linear.scatter [tilespmem:s18], [sflag:$0x2], $0x4000, $0x38;
	[tilespmem:$0x10900] =	vst v63  }
0x94: {  	_ =	swait.ge [sflag:s10], $0x4000  }
0x95: {  	[sflag:s10] =	ssyncset.done $0x0  }
0x96: {  	[sflag:s10] =	ssyncadd.s32 $0xFFFFC000  }
0x97: {  	_ =	sfence.sel $0x180000  }
0x98: {  	[bflag:$0x0] =	sbarrier.arrive $0xFFFF  }
0x99: {  	p0 =	sne.s32 s1, $0x0;
	_ =	strace $0x90000047  }
0x9a: {  	s0 =	sadd.s32 @!p0 $0x100000, s0;
	[bflag:$0x2] =	sbarrier.arrive $0xFFFF  }
0x9b: {  	[sflag:s0] =	ssyncadd.tile.s32 @!p0 $0x1;
	_ =	shalt  }
.Lfunc_end2:
_tile_overlayer_lowered:
.L_overlay_start_2:
0x9c: {  	(tag) =	ssettag $0x2  }
0x9d: {  	s0 =	rddreg [dreg:$0x0];
	s2 =	stileid.u32  }
0x9e: {  	s1 =	rddreg [dreg:$0x1];
	p0 =	sne.s32 s2, $0x0  }
0x9f: {  	s3 =	rddreg [dreg:$0x2];
	[bflag:$0x3] =	sbarrier.arrive $0xFFFF;
	s2 =	simm.s32 @!p0 $0x1C02  }
0xa0: {  	[timem:s3], [sflag:s2] =	dma.local @!p0 [hbm:s0], s1  }
0xa1: {  	s0 =	simm.s32 @!p0 $0x2  }
0xa2: {  	_ =	swait.ge @!p0 [sflag:s0], s1  }
0xa3: {  	s1 =	ssub.s32 @!p0 $0x0, s1;
	[sflag:s0] =	ssyncset.done @!p0 $0x0  }
0xa4: {  	[sflag:s0] =	ssyncadd.s32 @!p0 s1  }
0xa5: {  	[bflag:$0x3] =	sbarrier.arrive $0xFFFF  }
0xa6: {  	_ =	shalt  }

</sc_bundles>
